<compile_context>
chip_gen: v7x
topology: tpu7x:2x2x1
jax: 0.10.2.dev20260603
libtpu: 0.0.44.dev20260713+nightly
codegen_flags: <defaults>
</compile_context>

<pallas_src>
import functools

import jax
import jax.numpy as jnp
from jax import lax
from jax.experimental import pallas as pl
from jax.experimental.pallas import tpu as pltpu
from jax.experimental.pallas import tpu_sc as plsc

N = 10000
E = 320000
D = 128

NC = 2
NS = 16
L = 16
NW = NC * NS

K = 80
CHUNKS = E // NW // K
EPT = K * CHUNKS

NPAD = 10112
ROWS_PER_TILE = NPAD // NS
NPAD1 = 10240
DEG_PER_TILE = NPAD1 // NS

_sc_mesh = plsc.VectorSubcoreMesh(
    core_axis_name="c", subcore_axis_name="s", num_cores=NC, num_subcores=NS
)


@functools.partial(
    pl.kernel,
    out_type=jax.ShapeDtypeStruct((NC, NPAD1), jnp.float32),
    mesh=_sc_mesh,
    scratch_types=[
        pltpu.VMEM((CHUNKS, K), jnp.int32),
        pltpu.VMEM((K,), jnp.float32),
        pltpu.VMEM((DEG_PER_TILE,), jnp.float32),
        pltpu.VMEM_SHARED((NPAD1,), jnp.float32),
    ],
)
def _sc_deg(dst_hbm, out_hbm, dst_v, ones_v, zeros_v, acc_sh):
    c = lax.axis_index("c")
    s = lax.axis_index("s")
    wid = s * NC + c
    pltpu.sync_copy(dst_hbm.at[wid], dst_v)

    def fill_ones(i, carry):
        ones_v[pl.ds(i * L, L)] = jnp.ones((L,), jnp.float32)
        return carry

    def fill_zeros(i, carry):
        zeros_v[pl.ds(i * L, L)] = jnp.zeros((L,), jnp.float32)
        return carry

    lax.fori_loop(0, K // L, fill_ones, 0)
    lax.fori_loop(0, DEG_PER_TILE // L, fill_zeros, 0)

    base = s * DEG_PER_TILE
    pltpu.sync_copy(zeros_v, acc_sh.at[pl.ds(base, DEG_PER_TILE)])
    plsc.subcore_barrier()

    def body(j, carry):
        pltpu.sync_copy(ones_v, acc_sh.at[dst_v.at[j]], add=True)
        return carry

    lax.fori_loop(0, CHUNKS, body, 0)
    plsc.subcore_barrier()
    pltpu.sync_copy(acc_sh.at[pl.ds(base, DEG_PER_TILE)],
                    out_hbm.at[c, pl.ds(base, DEG_PER_TILE)])


@functools.partial(
    pl.kernel,
    out_type=jax.ShapeDtypeStruct((NC, NPAD, D), jnp.float32),
    mesh=_sc_mesh,
    scratch_types=[
        pltpu.VMEM((EPT,), jnp.int32),
        pltpu.VMEM((CHUNKS, K), jnp.int32),
        pltpu.VMEM((K, D), jnp.float32),
        pltpu.VMEM((K, D), jnp.float32),
        pltpu.VMEM_SHARED((NPAD, D), jnp.float32),
        pltpu.SemaphoreType.DMA,
        pltpu.SemaphoreType.DMA,
        pltpu.SemaphoreType.DMA,
        pltpu.SemaphoreType.DMA,
    ],
)
def _sc_agg(h_hbm, src_hbm, dst_hbm, out_hbm, src_v, dst_v, rows0_v, rows1_v,
            acc_sh, sem0a, sem0b, sem1a, sem1b):
    c = lax.axis_index("c")
    s = lax.axis_index("s")
    wid = s * NC + c
    pltpu.sync_copy(src_hbm.at[wid], src_v)
    pltpu.sync_copy(dst_hbm.at[wid], dst_v)

    SPLITS = ((0, K // 2), (K // 2, K // 2))

    def g_start(j, buf, sema, semb):
        for i, (off, ln) in enumerate(SPLITS):
            pltpu.async_copy(h_hbm.at[src_v.at[pl.ds(j * K + off, ln)]],
                             buf.at[pl.ds(off, ln)], sema if i % 2 == 0 else semb)

    def g_wait(j, buf, sema, semb):
        for i, (off, ln) in enumerate(SPLITS):
            pltpu.make_async_copy(h_hbm.at[src_v.at[pl.ds(j * K + off, ln)]],
                                  buf.at[pl.ds(off, ln)],
                                  sema if i % 2 == 0 else semb).wait()

    def scat(j, buf):
        pltpu.sync_copy(buf, acc_sh.at[dst_v.at[j]], add=True)

    g_start(0, rows0_v, sem0a, sem0b)

    def zrow(r, carry):
        for q in range(D // L):
            rows1_v[r, pl.ds(q * L, L)] = jnp.zeros((L,), jnp.float32)
        return carry

    lax.fori_loop(0, K, zrow, 0)

    base = s * ROWS_PER_TILE
    nfull = ROWS_PER_TILE // K
    for t in range(nfull):
        pltpu.sync_copy(rows1_v, acc_sh.at[pl.ds(base + t * K, K)])
    rem = ROWS_PER_TILE - nfull * K
    if rem:
        pltpu.sync_copy(rows1_v.at[pl.ds(0, rem)],
                        acc_sh.at[pl.ds(base + nfull * K, rem)])
    plsc.subcore_barrier()

    def body(p, carry):
        j0 = 2 * p
        j1 = j0 + 1
        g_start(j1, rows1_v, sem1a, sem1b)
        g_wait(j0, rows0_v, sem0a, sem0b)
        scat(j0, rows0_v)
        g_start(j0 + 2, rows0_v, sem0a, sem0b)
        g_wait(j1, rows1_v, sem1a, sem1b)
        scat(j1, rows1_v)
        return carry

    lax.fori_loop(0, CHUNKS // 2, body, 0)
    g_wait(CHUNKS - 1, rows0_v, sem0a, sem0b)
    scat(CHUNKS - 1, rows0_v)
    plsc.subcore_barrier()
    pltpu.sync_copy(acc_sh.at[pl.ds(base, ROWS_PER_TILE)],
                    out_hbm.at[c, pl.ds(base, ROWS_PER_TILE)])


BR = 1000
GRID = N // BR


def _dinv_of(deg_blk):
    return 1.0 / jnp.sqrt(deg_blk[:, 0:1] + deg_blk[:, 1:2] + 1.0)


def _mm1_body(x_ref, w_ref, deg_ref, o_ref):
    dinv = _dinv_of(deg_ref[...])
    h = jnp.dot(x_ref[...], w_ref[...], preferred_element_type=jnp.float32)
    o_ref[...] = h * dinv


_mm1 = pl.pallas_call(
    _mm1_body,
    grid=(GRID,),
    in_specs=[
        pl.BlockSpec((BR, D), lambda i: (i, 0)),
        pl.BlockSpec((D, D), lambda i: (0, 0)),
        pl.BlockSpec((BR, 2), lambda i: (i, 0)),
    ],
    out_specs=pl.BlockSpec((BR, D), lambda i: (i, 0)),
    out_shape=jax.ShapeDtypeStruct((N, D), jnp.float32),
)


def _mm2_body(a0_ref, a1_ref, h1_ref, deg_ref, b1_ref, w2_ref, o_ref):
    dinv = _dinv_of(deg_ref[...])
    t = (a0_ref[0] + a1_ref[0] + h1_ref[...]) * dinv + b1_ref[...]
    t = jnp.maximum(t, 0.0)
    o_ref[...] = jnp.dot(t, w2_ref[...], preferred_element_type=jnp.float32) * dinv


_mm2 = pl.pallas_call(
    _mm2_body,
    grid=(GRID,),
    in_specs=[
        pl.BlockSpec((1, BR, D), lambda i: (0, i, 0)),
        pl.BlockSpec((1, BR, D), lambda i: (1, i, 0)),
        pl.BlockSpec((BR, D), lambda i: (i, 0)),
        pl.BlockSpec((BR, 2), lambda i: (i, 0)),
        pl.BlockSpec((1, D), lambda i: (0, 0)),
        pl.BlockSpec((D, D), lambda i: (0, 0)),
    ],
    out_specs=pl.BlockSpec((BR, D), lambda i: (i, 0)),
    out_shape=jax.ShapeDtypeStruct((N, D), jnp.float32),
)


def _fin_body(a0_ref, a1_ref, h2_ref, deg_ref, b2_ref, o_ref):
    dinv = _dinv_of(deg_ref[...])
    o_ref[...] = (a0_ref[0] + a1_ref[0] + h2_ref[...]) * dinv + b2_ref[...]


_fin = pl.pallas_call(
    _fin_body,
    grid=(GRID,),
    in_specs=[
        pl.BlockSpec((1, BR, D), lambda i: (0, i, 0)),
        pl.BlockSpec((1, BR, D), lambda i: (1, i, 0)),
        pl.BlockSpec((BR, D), lambda i: (i, 0)),
        pl.BlockSpec((BR, 2), lambda i: (i, 0)),
        pl.BlockSpec((1, D), lambda i: (0, 0)),
    ],
    out_specs=pl.BlockSpec((BR, D), lambda i: (i, 0)),
    out_shape=jax.ShapeDtypeStruct((N, D), jnp.float32),
)


def kernel(node_emb, edge_index, W1, b1, W2, b2):
    src_p = edge_index[0].reshape(NW, EPT)
    dst_p = edge_index[1].reshape(NW, CHUNKS, K)

    deg_parts = _sc_deg(dst_p)
    deg_t = deg_parts.T

    b1r = b1.reshape(1, D)
    b2r = b2.reshape(1, D)

    h1p = _mm1(node_emb, W1, deg_t)
    agg1 = _sc_agg(h1p, src_p, dst_p)
    h2p = _mm2(agg1, agg1, h1p, deg_t, b1r, W2)
    agg2 = _sc_agg(h2p, src_p, dst_p)
    out = _fin(agg2, agg2, h2p, deg_t, b2r)
    return out

# --- scband reference (transcript-rebuilt; emitter-appended) ---
"""Pipeline reference for scband-gcn-73512660238643 (READ-ONLY COPY).

The authoritative reference and input builder live on the scoring server;
editing this copy changes nothing except your own understanding.
"""

import jax, jax.numpy as jnp
import numpy as np

N = 10000
E = 320000
D_IN = 128
D_HID = 128
D_OUT = 128


def setup_inputs(seed: int = 0) -> dict:
    key = jax.random.key(seed)
    k1, k2, k3, k4, k5, k6 = jax.random.split(key, 6)
    node_emb = jax.random.normal(k1, (N, D_IN), dtype=jnp.float32)
    edge_index = jax.random.randint(k2, (2, E), 0, N, dtype=jnp.int32)
    W1 = jax.random.normal(k3, (D_IN, D_HID), dtype=jnp.float32) * 0.05
    b1 = jnp.zeros((D_HID,), dtype=jnp.float32)
    W2 = jax.random.normal(k4, (D_HID, D_OUT), dtype=jnp.float32) * 0.05
    b2 = jnp.zeros((D_OUT,), dtype=jnp.float32)
    return {"node_emb": node_emb, "edge_index": edge_index, "W1": W1, "b1": b1, "W2": W2, "b2": b2}


def _add_self_loops(edge_index, n):
    ar = jnp.arange(n, dtype=edge_index.dtype)
    loops = jnp.stack([ar, ar], axis=0)
    return jnp.concatenate([edge_index, loops], axis=1)


def _gcn_conv(x, edge_index, W, b, n):
    # PyG GCNConv with normalize=True, add_self_loops=True
    ei = _add_self_loops(edge_index, n)
    src, dst = ei[0], ei[1]
    x = x @ W
    deg = jax.ops.segment_sum(jnp.ones(ei.shape[1], dtype=jnp.float32), dst, num_segments=n)
    dinv = jnp.where(deg > 0, 1.0 / jnp.sqrt(deg), 0.0)
    norm = dinv[src] * dinv[dst]
    msg = x[src] * norm[:, None]
    out = jax.ops.segment_sum(msg, dst, num_segments=n)
    return out + b


def reference(node_emb, edge_index, W1, b1, W2, b2):
    n = node_emb.shape[0]
    h = _gcn_conv(node_emb, edge_index, W1, b1, n)
    h = jax.nn.relu(h)
    # dropout(p=0.5) is identity in eval mode
    out = _gcn_conv(h, edge_index, W2, b2, n)
    return out

if __name__ == "__main__":
    import jax
    _d = setup_inputs()
    print(jax.jit(kernel)(*tuple(_d.values())))

</pallas_src>

<mosaic_0001>
#map = affine_map<(d0, d1) -> (0, 0)>
#map1 = affine_map<(d0, d1) -> (0, 0, 0)>
module attributes {stable_mosaic.version = 14 : i64} {
  func.func @_sc_agg(%arg0: i32, %arg1: i32, %arg2: memref<10000x128xf32, #tpu.memory_space<hbm>>, %arg3: memref<32x10000xi32, #tpu.memory_space<hbm>>, %arg4: memref<32x125x80xi32, #tpu.memory_space<hbm>>, %arg5: memref<2x10112x128xf32, #tpu.memory_space<hbm>>, %arg6: memref<10000xi32, #tpu.memory_space<vmem>>, %arg7: memref<125x80xi32, #tpu.memory_space<vmem>>, %arg8: memref<80x128xf32, #tpu.memory_space<vmem>>, %arg9: memref<80x128xf32, #tpu.memory_space<vmem>>, %arg10: memref<10112x128xf32, #tpu.memory_space<vmem_shared>>, %arg11: memref<!tpu.dma_semaphore, #tpu.memory_space<semaphore_mem>>, %arg12: memref<!tpu.dma_semaphore, #tpu.memory_space<semaphore_mem>>, %arg13: memref<!tpu.dma_semaphore, #tpu.memory_space<semaphore_mem>>, %arg14: memref<!tpu.dma_semaphore, #tpu.memory_space<semaphore_mem>>) attributes {dimension_semantics = [#tpu.dimension_semantics<core_parallel>, #tpu.dimension_semantics<subcore_parallel>], iteration_bounds = array<i64: 2, 16>, scalar_prefetch = 0 : i64, scratch_operands = 9 : i64, tpu.core_type = #tpu.core_type<sc_vector_subcore>, window_params = [{transform_indices = #map}, {transform_indices = #map}, {transform_indices = #map1}, {transform_indices = #map1}]} {
    %mul3A = arith.constant 2 : i32
    %mul3A_0 = arith.muli %arg1, %mul3A : i32
    %add3A = arith.addi %mul3A_0, %arg0 : i32
    "tpu.region"() ({
      %run_scoped3A_61 = tpu.sem_alloc : memref<!tpu.dma_semaphore, #tpu.memory_space<semaphore_mem>>
      %dma_start3A_62 = arith.constant 0 : i32
      %dma_start3A_63 = tpu.memref_slice %arg3[%add3A, %dma_start3A_62] : memref<32x10000xi32, #tpu.memory_space<hbm>> -> memref<1x10000xi32, #tpu.memory_space<hbm>>
      %dma_start3A_64 = tpu.memref_squeeze %dma_start3A_63 : memref<1x10000xi32, #tpu.memory_space<hbm>> -> memref<10000xi32, #tpu.memory_space<hbm>>
      %dma_start3A_65 = arith.constant 0 : i32
      %dma_start3A_66 = tpu.memref_slice %arg3[%add3A, %dma_start3A_65] : memref<32x10000xi32, #tpu.memory_space<hbm>> -> memref<1x10000xi32, #tpu.memory_space<hbm>>
      %dma_start3A_67 = tpu.memref_squeeze %dma_start3A_66 : memref<1x10000xi32, #tpu.memory_space<hbm>> -> memref<10000xi32, #tpu.memory_space<hbm>>
      tpu.enqueue_dma source(%dma_start3A_67 : memref<10000xi32, #tpu.memory_space<hbm>>) target(%arg6 : memref<10000xi32, #tpu.memory_space<vmem>>) target_semaphore(%run_scoped3A_61 : memref<!tpu.dma_semaphore, #tpu.memory_space<semaphore_mem>>)
      %dma_wait3A_68 = arith.constant 0 : i32
      %dma_wait3A_69 = tpu.memref_slice %arg3[%add3A, %dma_wait3A_68] : memref<32x10000xi32, #tpu.memory_space<hbm>> -> memref<1x10000xi32, #tpu.memory_space<hbm>>
      %dma_wait3A_70 = tpu.memref_squeeze %dma_wait3A_69 : memref<1x10000xi32, #tpu.memory_space<hbm>> -> memref<10000xi32, #tpu.memory_space<hbm>>
      %dma_wait3A_71 = arith.constant 0 : i32
      %dma_wait3A_72 = tpu.memref_slice %arg3[%add3A, %dma_wait3A_71] : memref<32x10000xi32, #tpu.memory_space<hbm>> -> memref<1x10000xi32, #tpu.memory_space<hbm>>
      %dma_wait3A_73 = tpu.memref_squeeze %dma_wait3A_72 : memref<1x10000xi32, #tpu.memory_space<hbm>> -> memref<10000xi32, #tpu.memory_space<hbm>>
      tpu.wait_dma2 semaphore(%run_scoped3A_61 : memref<!tpu.dma_semaphore, #tpu.memory_space<semaphore_mem>>) src(%dma_wait3A_73 : memref<10000xi32, #tpu.memory_space<hbm>>) dst(%arg6 : memref<10000xi32, #tpu.memory_space<vmem>>)
      tpu.yield
    }) : () -> ()
    "tpu.region"() ({
      %run_scoped3A_61 = tpu.sem_alloc : memref<!tpu.dma_semaphore, #tpu.memory_space<semaphore_mem>>
      %dma_start3A_62 = arith.constant 0 : i32
      %dma_start3A_63 = arith.constant 0 : i32
      %dma_start3A_64 = tpu.memref_slice %arg4[%add3A, %dma_start3A_62, %dma_start3A_63] : memref<32x125x80xi32, #tpu.memory_space<hbm>> -> memref<1x125x80xi32, #tpu.memory_space<hbm>>
      %dma_start3A_65 = tpu.memref_squeeze %dma_start3A_64 : memref<1x125x80xi32, #tpu.memory_space<hbm>> -> memref<125x80xi32, #tpu.memory_space<hbm>>
      %dma_start3A_66 = arith.constant 0 : i32
      %dma_start3A_67 = arith.constant 0 : i32
      %dma_start3A_68 = tpu.memref_slice %arg4[%add3A, %dma_start3A_66, %dma_start3A_67] : memref<32x125x80xi32, #tpu.memory_space<hbm>> -> memref<1x125x80xi32, #tpu.memory_space<hbm>>
      %dma_start3A_69 = tpu.memref_squeeze %dma_start3A_68 : memref<1x125x80xi32, #tpu.memory_space<hbm>> -> memref<125x80xi32, #tpu.memory_space<hbm>>
      tpu.enqueue_dma source(%dma_start3A_69 : memref<125x80xi32, #tpu.memory_space<hbm>>) target(%arg7 : memref<125x80xi32, #tpu.memory_space<vmem>>) target_semaphore(%run_scoped3A_61 : memref<!tpu.dma_semaphore, #tpu.memory_space<semaphore_mem>>)
      %dma_wait3A_70 = arith.constant 0 : i32
      %dma_wait3A_71 = arith.constant 0 : i32
      %dma_wait3A_72 = tpu.memref_slice %arg4[%add3A, %dma_wait3A_70, %dma_wait3A_71] : memref<32x125x80xi32, #tpu.memory_space<hbm>> -> memref<1x125x80xi32, #tpu.memory_space<hbm>>
      %dma_wait3A_73 = tpu.memref_squeeze %dma_wait3A_72 : memref<1x125x80xi32, #tpu.memory_space<hbm>> -> memref<125x80xi32, #tpu.memory_space<hbm>>
      %dma_wait3A_74 = arith.constant 0 : i32
      %dma_wait3A_75 = arith.constant 0 : i32
      %dma_wait3A_76 = tpu.memref_slice %arg4[%add3A, %dma_wait3A_74, %dma_wait3A_75] : memref<32x125x80xi32, #tpu.memory_space<hbm>> -> memref<1x125x80xi32, #tpu.memory_space<hbm>>
      %dma_wait3A_77 = tpu.memref_squeeze %dma_wait3A_76 : memref<1x125x80xi32, #tpu.memory_space<hbm>> -> memref<125x80xi32, #tpu.memory_space<hbm>>
      tpu.wait_dma2 semaphore(%run_scoped3A_61 : memref<!tpu.dma_semaphore, #tpu.memory_space<semaphore_mem>>) src(%dma_wait3A_77 : memref<125x80xi32, #tpu.memory_space<hbm>>) dst(%arg7 : memref<125x80xi32, #tpu.memory_space<vmem>>)
      tpu.yield
    }) : () -> ()
    %dma_start3A = arith.constant 0 : i32
    %dma_start3A_1 = arith.constant 0 : i32
    %dma_start3A_2 = tpu.memref_slice %arg8[%dma_start3A, %dma_start3A_1] : memref<80x128xf32, #tpu.memory_space<vmem>> -> memref<40x128xf32, #tpu.memory_space<vmem>>
    %dma_start3A_3 = arith.constant 0 : i32
    %dma_start3A_4 = tpu.memref_slice %arg6[%dma_start3A_3] : memref<10000xi32, #tpu.memory_space<vmem>> -> memref<40xi32, #tpu.memory_space<vmem>>
    %dma_start3A_5 = arith.constant 0 : i32
    %dma_start3A_6 = arith.constant 0 : i32
    %dma_start3A_7 = tpu.memref_slice %arg2[%dma_start3A_5, %dma_start3A_6] : memref<10000x128xf32, #tpu.memory_space<hbm>> -> memref<10000x128xf32, #tpu.memory_space<hbm>>
    tpu.enqueue_indirect_dma source(%dma_start3A_7 : memref<10000x128xf32, #tpu.memory_space<hbm>>) target(%dma_start3A_2 : memref<40x128xf32, #tpu.memory_space<vmem>>) offsets(%dma_start3A_4 : memref<40xi32, #tpu.memory_space<vmem>>) semaphore(%arg11 : memref<!tpu.dma_semaphore, #tpu.memory_space<semaphore_mem>>)
    %dma_start3A_8 = arith.constant 40 : i32
    %dma_start3A_9 = arith.constant 0 : i32
    %dma_start3A_10 = tpu.memref_slice %arg8[%dma_start3A_8, %dma_start3A_9] : memref<80x128xf32, #tpu.memory_space<vmem>> -> memref<40x128xf32, #tpu.memory_space<vmem>>
    %dma_start3A_11 = arith.constant 40 : i32
    %dma_start3A_12 = tpu.memref_slice %arg6[%dma_start3A_11] : memref<10000xi32, #tpu.memory_space<vmem>> -> memref<40xi32, #tpu.memory_space<vmem>>
    %dma_start3A_13 = arith.constant 0 : i32
    %dma_start3A_14 = arith.constant 0 : i32
    %dma_start3A_15 = tpu.memref_slice %arg2[%dma_start3A_13, %dma_start3A_14] : memref<10000x128xf32, #tpu.memory_space<hbm>> -> memref<10000x128xf32, #tpu.memory_space<hbm>>
    tpu.enqueue_indirect_dma source(%dma_start3A_15 : memref<10000x128xf32, #tpu.memory_space<hbm>>) target(%dma_start3A_10 : memref<40x128xf32, #tpu.memory_space<vmem>>) offsets(%dma_start3A_12 : memref<40xi32, #tpu.memory_space<vmem>>) semaphore(%arg12 : memref<!tpu.dma_semaphore, #tpu.memory_space<semaphore_mem>>)
    %scan3A = arith.constant 0 : i32
    %scan3A_16 = arith.constant 0 : i32
    %scan3A_17 = arith.constant 80 : i32
    %scan3A_18 = arith.addi %scan3A_16, %scan3A_17 : i32
    %scan3A_19 = arith.constant 1 : i32
    scf.for %scan3A_61 = %scan3A_16 to %scan3A_18 step %scan3A_19  : i32 {
      %broadcast_in_dim3A = arith.constant 0.000000e+00 : f32
      %broadcast_in_dim3A_62 = vector.broadcast %broadcast_in_dim3A : f32 to vector<16xf32>
      %swap3A = arith.index_cast %scan3A_61 : i32 to index
      %swap3A_63 = arith.constant 0 : index
      %swap3A_64 = tpu.vector_load %arg9[%swap3A, %swap3A_63] {strides = array<i32>} : memref<80x128xf32, #tpu.memory_space<vmem>>, vector<1x16xf32>,
      %swap3A_65 = vector.shape_cast %swap3A_64 : vector<1x16xf32> to vector<16xf32>
      %swap3A_66 = vector.shape_cast %broadcast_in_dim3A_62 : vector<16xf32> to vector<1x16xf32>
      tpu.vector_store %arg9[%swap3A, %swap3A_63], %swap3A_66 {strides = array<i32>} : memref<80x128xf32, #tpu.memory_space<vmem>>, vector<1x16xf32>,
      %broadcast_in_dim3A_67 = arith.constant 0.000000e+00 : f32
      %broadcast_in_dim3A_68 = vector.broadcast %broadcast_in_dim3A_67 : f32 to vector<16xf32>
      %swap3A_69 = arith.index_cast %scan3A_61 : i32 to index
      %swap3A_70 = arith.constant 16 : index
      %swap3A_71 = tpu.vector_load %arg9[%swap3A_69, %swap3A_70] {strides = array<i32>} : memref<80x128xf32, #tpu.memory_space<vmem>>, vector<1x16xf32>,
      %swap3A_72 = vector.shape_cast %swap3A_71 : vector<1x16xf32> to vector<16xf32>
      %swap3A_73 = vector.shape_cast %broadcast_in_dim3A_68 : vector<16xf32> to vector<1x16xf32>
      tpu.vector_store %arg9[%swap3A_69, %swap3A_70], %swap3A_73 {strides = array<i32>} : memref<80x128xf32, #tpu.memory_space<vmem>>, vector<1x16xf32>,
      %broadcast_in_dim3A_74 = arith.constant 0.000000e+00 : f32
      %broadcast_in_dim3A_75 = vector.broadcast %broadcast_in_dim3A_74 : f32 to vector<16xf32>
      %swap3A_76 = arith.index_cast %scan3A_61 : i32 to index
      %swap3A_77 = arith.constant 32 : index
      %swap3A_78 = tpu.vector_load %arg9[%swap3A_76, %swap3A_77] {strides = array<i32>} : memref<80x128xf32, #tpu.memory_space<vmem>>, vector<1x16xf32>,
      %swap3A_79 = vector.shape_cast %swap3A_78 : vector<1x16xf32> to vector<16xf32>
      %swap3A_80 = vector.shape_cast %broadcast_in_dim3A_75 : vector<16xf32> to vector<1x16xf32>
      tpu.vector_store %arg9[%swap3A_76, %swap3A_77], %swap3A_80 {strides = array<i32>} : memref<80x128xf32, #tpu.memory_space<vmem>>, vector<1x16xf32>,
      %broadcast_in_dim3A_81 = arith.constant 0.000000e+00 : f32
      %broadcast_in_dim3A_82 = vector.broadcast %broadcast_in_dim3A_81 : f32 to vector<16xf32>
      %swap3A_83 = arith.index_cast %scan3A_61 : i32 to index
      %swap3A_84 = arith.constant 48 : index
      %swap3A_85 = tpu.vector_load %arg9[%swap3A_83, %swap3A_84] {strides = array<i32>} : memref<80x128xf32, #tpu.memory_space<vmem>>, vector<1x16xf32>,
      %swap3A_86 = vector.shape_cast %swap3A_85 : vector<1x16xf32> to vector<16xf32>
      %swap3A_87 = vector.shape_cast %broadcast_in_dim3A_82 : vector<16xf32> to vector<1x16xf32>
      tpu.vector_store %arg9[%swap3A_83, %swap3A_84], %swap3A_87 {strides = array<i32>} : memref<80x128xf32, #tpu.memory_space<vmem>>, vector<1x16xf32>,
      %broadcast_in_dim3A_88 = arith.constant 0.000000e+00 : f32
      %broadcast_in_dim3A_89 = vector.broadcast %broadcast_in_dim3A_88 : f32 to vector<16xf32>
      %swap3A_90 = arith.index_cast %scan3A_61 : i32 to index
      %swap3A_91 = arith.constant 64 : index
      %swap3A_92 = tpu.vector_load %arg9[%swap3A_90, %swap3A_91] {strides = array<i32>} : memref<80x128xf32, #tpu.memory_space<vmem>>, vector<1x16xf32>,
      %swap3A_93 = vector.shape_cast %swap3A_92 : vector<1x16xf32> to vector<16xf32>
      %swap3A_94 = vector.shape_cast %broadcast_in_dim3A_89 : vector<16xf32> to vector<1x16xf32>
      tpu.vector_store %arg9[%swap3A_90, %swap3A_91], %swap3A_94 {strides = array<i32>} : memref<80x128xf32, #tpu.memory_space<vmem>>, vector<1x16xf32>,
      %broadcast_in_dim3A_95 = arith.constant 0.000000e+00 : f32
      %broadcast_in_dim3A_96 = vector.broadcast %broadcast_in_dim3A_95 : f32 to vector<16xf32>
      %swap3A_97 = arith.index_cast %scan3A_61 : i32 to index
      %swap3A_98 = arith.constant 80 : index
      %swap3A_99 = tpu.vector_load %arg9[%swap3A_97, %swap3A_98] {strides = array<i32>} : memref<80x128xf32, #tpu.memory_space<vmem>>, vector<1x16xf32>,
      %swap3A_100 = vector.shape_cast %swap3A_99 : vector<1x16xf32> to vector<16xf32>
      %swap3A_101 = vector.shape_cast %broadcast_in_dim3A_96 : vector<16xf32> to vector<1x16xf32>
      tpu.vector_store %arg9[%swap3A_97, %swap3A_98], %swap3A_101 {strides = array<i32>} : memref<80x128xf32, #tpu.memory_space<vmem>>, vector<1x16xf32>,
      %broadcast_in_dim3A_102 = arith.constant 0.000000e+00 : f32
      %broadcast_in_dim3A_103 = vector.broadcast %broadcast_in_dim3A_102 : f32 to vector<16xf32>
      %swap3A_104 = arith.index_cast %scan3A_61 : i32 to index
      %swap3A_105 = arith.constant 96 : index
      %swap3A_106 = tpu.vector_load %arg9[%swap3A_104, %swap3A_105] {strides = array<i32>} : memref<80x128xf32, #tpu.memory_space<vmem>>, vector<1x16xf32>,
      %swap3A_107 = vector.shape_cast %swap3A_106 : vector<1x16xf32> to vector<16xf32>
      %swap3A_108 = vector.shape_cast %broadcast_in_dim3A_103 : vector<16xf32> to vector<1x16xf32>
      tpu.vector_store %arg9[%swap3A_104, %swap3A_105], %swap3A_108 {strides = array<i32>} : memref<80x128xf32, #tpu.memory_space<vmem>>, vector<1x16xf32>,
      %broadcast_in_dim3A_109 = arith.constant 0.000000e+00 : f32
      %broadcast_in_dim3A_110 = vector.broadcast %broadcast_in_dim3A_109 : f32 to vector<16xf32>
      %swap3A_111 = arith.index_cast %scan3A_61 : i32 to index
      %swap3A_112 = arith.constant 112 : index
      %swap3A_113 = tpu.vector_load %arg9[%swap3A_111, %swap3A_112] {strides = array<i32>} : memref<80x128xf32, #tpu.memory_space<vmem>>, vector<1x16xf32>,
      %swap3A_114 = vector.shape_cast %swap3A_113 : vector<1x16xf32> to vector<16xf32>
      %swap3A_115 = vector.shape_cast %broadcast_in_dim3A_110 : vector<16xf32> to vector<1x16xf32>
      tpu.vector_store %arg9[%swap3A_111, %swap3A_112], %swap3A_115 {strides = array<i32>} : memref<80x128xf32, #tpu.memory_space<vmem>>, vector<1x16xf32>,
    }
    %scan3A_20 = arith.constant 80 : i32
    %mul3A_21 = arith.constant 632 : i32
    %mul3A_22 = arith.muli %arg1, %mul3A_21 : i32
    %add3A_23 = arith.constant 0 : i32
    %add3A_24 = arith.addi %mul3A_22, %add3A_23 : i32
    "tpu.region"() ({
      %run_scoped3A_61 = tpu.sem_alloc : memref<!tpu.dma_semaphore, #tpu.memory_space<semaphore_mem>>
      %dma_start3A_62 = arith.constant 0 : i32
      %dma_start3A_63 = tpu.memref_slice %arg10[%add3A_24, %dma_start3A_62] : memref<10112x128xf32, #tpu.memory_space<vmem_shared>> -> memref<80x128xf32, #tpu.memory_space<vmem_shared>>
      %dma_start3A_64 = arith.constant 0 : i32
      %dma_start3A_65 = tpu.memref_slice %arg10[%add3A_24, %dma_start3A_64] : memref<10112x128xf32, #tpu.memory_space<vmem_shared>> -> memref<80x128xf32, #tpu.memory_space<vmem_shared>>
      tpu.enqueue_dma source(%arg9 : memref<80x128xf32, #tpu.memory_space<vmem>>) target(%dma_start3A_65 : memref<80x128xf32, #tpu.memory_space<vmem_shared>>) target_semaphore(%run_scoped3A_61 : memref<!tpu.dma_semaphore, #tpu.memory_space<semaphore_mem>>)
      %dma_wait3A_66 = arith.constant 0 : i32
      %dma_wait3A_67 = tpu.memref_slice %arg10[%add3A_24, %dma_wait3A_66] : memref<10112x128xf32, #tpu.memory_space<vmem_shared>> -> memref<80x128xf32, #tpu.memory_space<vmem_shared>>
      %dma_wait3A_68 = arith.constant 0 : i32
      %dma_wait3A_69 = tpu.memref_slice %arg10[%add3A_24, %dma_wait3A_68] : memref<10112x128xf32, #tpu.memory_space<vmem_shared>> -> memref<80x128xf32, #tpu.memory_space<vmem_shared>>
      tpu.wait_dma2 semaphore(%run_scoped3A_61 : memref<!tpu.dma_semaphore, #tpu.memory_space<semaphore_mem>>) src(%arg9 : memref<80x128xf32, #tpu.memory_space<vmem>>) dst(%dma_wait3A_69 : memref<80x128xf32, #tpu.memory_space<vmem_shared>>)
      tpu.yield
    }) : () -> ()
    %add3A_25 = arith.constant 80 : i32
    %add3A_26 = arith.addi %mul3A_22, %add3A_25 : i32
    "tpu.region"() ({
      %run_scoped3A_61 = tpu.sem_alloc : memref<!tpu.dma_semaphore, #tpu.memory_space<semaphore_mem>>
      %dma_start3A_62 = arith.constant 0 : i32
      %dma_start3A_63 = tpu.memref_slice %arg10[%add3A_26, %dma_start3A_62] : memref<10112x128xf32, #tpu.memory_space<vmem_shared>> -> memref<80x128xf32, #tpu.memory_space<vmem_shared>>
      %dma_start3A_64 = arith.constant 0 : i32
      %dma_start3A_65 = tpu.memref_slice %arg10[%add3A_26, %dma_start3A_64] : memref<10112x128xf32, #tpu.memory_space<vmem_shared>> -> memref<80x128xf32, #tpu.memory_space<vmem_shared>>
      tpu.enqueue_dma source(%arg9 : memref<80x128xf32, #tpu.memory_space<vmem>>) target(%dma_start3A_65 : memref<80x128xf32, #tpu.memory_space<vmem_shared>>) target_semaphore(%run_scoped3A_61 : memref<!tpu.dma_semaphore, #tpu.memory_space<semaphore_mem>>)
      %dma_wait3A_66 = arith.constant 0 : i32
      %dma_wait3A_67 = tpu.memref_slice %arg10[%add3A_26, %dma_wait3A_66] : memref<10112x128xf32, #tpu.memory_space<vmem_shared>> -> memref<80x128xf32, #tpu.memory_space<vmem_shared>>
      %dma_wait3A_68 = arith.constant 0 : i32
      %dma_wait3A_69 = tpu.memref_slice %arg10[%add3A_26, %dma_wait3A_68] : memref<10112x128xf32, #tpu.memory_space<vmem_shared>> -> memref<80x128xf32, #tpu.memory_space<vmem_shared>>
      tpu.wait_dma2 semaphore(%run_scoped3A_61 : memref<!tpu.dma_semaphore, #tpu.memory_space<semaphore_mem>>) src(%arg9 : memref<80x128xf32, #tpu.memory_space<vmem>>) dst(%dma_wait3A_69 : memref<80x128xf32, #tpu.memory_space<vmem_shared>>)
      tpu.yield
    }) : () -> ()
    %add3A_27 = arith.constant 160 : i32
    %add3A_28 = arith.addi %mul3A_22, %add3A_27 : i32
    "tpu.region"() ({
      %run_scoped3A_61 = tpu.sem_alloc : memref<!tpu.dma_semaphore, #tpu.memory_space<semaphore_mem>>
      %dma_start3A_62 = arith.constant 0 : i32
      %dma_start3A_63 = tpu.memref_slice %arg10[%add3A_28, %dma_start3A_62] : memref<10112x128xf32, #tpu.memory_space<vmem_shared>> -> memref<80x128xf32, #tpu.memory_space<vmem_shared>>
      %dma_start3A_64 = arith.constant 0 : i32
      %dma_start3A_65 = tpu.memref_slice %arg10[%add3A_28, %dma_start3A_64] : memref<10112x128xf32, #tpu.memory_space<vmem_shared>> -> memref<80x128xf32, #tpu.memory_space<vmem_shared>>
      tpu.enqueue_dma source(%arg9 : memref<80x128xf32, #tpu.memory_space<vmem>>) target(%dma_start3A_65 : memref<80x128xf32, #tpu.memory_space<vmem_shared>>) target_semaphore(%run_scoped3A_61 : memref<!tpu.dma_semaphore, #tpu.memory_space<semaphore_mem>>)
      %dma_wait3A_66 = arith.constant 0 : i32
      %dma_wait3A_67 = tpu.memref_slice %arg10[%add3A_28, %dma_wait3A_66] : memref<10112x128xf32, #tpu.memory_space<vmem_shared>> -> memref<80x128xf32, #tpu.memory_space<vmem_shared>>
      %dma_wait3A_68 = arith.constant 0 : i32
      %dma_wait3A_69 = tpu.memref_slice %arg10[%add3A_28, %dma_wait3A_68] : memref<10112x128xf32, #tpu.memory_space<vmem_shared>> -> memref<80x128xf32, #tpu.memory_space<vmem_shared>>
      tpu.wait_dma2 semaphore(%run_scoped3A_61 : memref<!tpu.dma_semaphore, #tpu.memory_space<semaphore_mem>>) src(%arg9 : memref<80x128xf32, #tpu.memory_space<vmem>>) dst(%dma_wait3A_69 : memref<80x128xf32, #tpu.memory_space<vmem_shared>>)
      tpu.yield
    }) : () -> ()
    %add3A_29 = arith.constant 240 : i32
    %add3A_30 = arith.addi %mul3A_22, %add3A_29 : i32
    "tpu.region"() ({
      %run_scoped3A_61 = tpu.sem_alloc : memref<!tpu.dma_semaphore, #tpu.memory_space<semaphore_mem>>
      %dma_start3A_62 = arith.constant 0 : i32
      %dma_start3A_63 = tpu.memref_slice %arg10[%add3A_30, %dma_start3A_62] : memref<10112x128xf32, #tpu.memory_space<vmem_shared>> -> memref<80x128xf32, #tpu.memory_space<vmem_shared>>
      %dma_start3A_64 = arith.constant 0 : i32
      %dma_start3A_65 = tpu.memref_slice %arg10[%add3A_30, %dma_start3A_64] : memref<10112x128xf32, #tpu.memory_space<vmem_shared>> -> memref<80x128xf32, #tpu.memory_space<vmem_shared>>
      tpu.enqueue_dma source(%arg9 : memref<80x128xf32, #tpu.memory_space<vmem>>) target(%dma_start3A_65 : memref<80x128xf32, #tpu.memory_space<vmem_shared>>) target_semaphore(%run_scoped3A_61 : memref<!tpu.dma_semaphore, #tpu.memory_space<semaphore_mem>>)
      %dma_wait3A_66 = arith.constant 0 : i32
      %dma_wait3A_67 = tpu.memref_slice %arg10[%add3A_30, %dma_wait3A_66] : memref<10112x128xf32, #tpu.memory_space<vmem_shared>> -> memref<80x128xf32, #tpu.memory_space<vmem_shared>>
      %dma_wait3A_68 = arith.constant 0 : i32
      %dma_wait3A_69 = tpu.memref_slice %arg10[%add3A_30, %dma_wait3A_68] : memref<10112x128xf32, #tpu.memory_space<vmem_shared>> -> memref<80x128xf32, #tpu.memory_space<vmem_shared>>
      tpu.wait_dma2 semaphore(%run_scoped3A_61 : memref<!tpu.dma_semaphore, #tpu.memory_space<semaphore_mem>>) src(%arg9 : memref<80x128xf32, #tpu.memory_space<vmem>>) dst(%dma_wait3A_69 : memref<80x128xf32, #tpu.memory_space<vmem_shared>>)
      tpu.yield
    }) : () -> ()
    %add3A_31 = arith.constant 320 : i32
    %add3A_32 = arith.addi %mul3A_22, %add3A_31 : i32
    "tpu.region"() ({
      %run_scoped3A_61 = tpu.sem_alloc : memref<!tpu.dma_semaphore, #tpu.memory_space<semaphore_mem>>
      %dma_start3A_62 = arith.constant 0 : i32
      %dma_start3A_63 = tpu.memref_slice %arg10[%add3A_32, %dma_start3A_62] : memref<10112x128xf32, #tpu.memory_space<vmem_shared>> -> memref<80x128xf32, #tpu.memory_space<vmem_shared>>
      %dma_start3A_64 = arith.constant 0 : i32
      %dma_start3A_65 = tpu.memref_slice %arg10[%add3A_32, %dma_start3A_64] : memref<10112x128xf32, #tpu.memory_space<vmem_shared>> -> memref<80x128xf32, #tpu.memory_space<vmem_shared>>
      tpu.enqueue_dma source(%arg9 : memref<80x128xf32, #tpu.memory_space<vmem>>) target(%dma_start3A_65 : memref<80x128xf32, #tpu.memory_space<vmem_shared>>) target_semaphore(%run_scoped3A_61 : memref<!tpu.dma_semaphore, #tpu.memory_space<semaphore_mem>>)
      %dma_wait3A_66 = arith.constant 0 : i32
      %dma_wait3A_67 = tpu.memref_slice %arg10[%add3A_32, %dma_wait3A_66] : memref<10112x128xf32, #tpu.memory_space<vmem_shared>> -> memref<80x128xf32, #tpu.memory_space<vmem_shared>>
      %dma_wait3A_68 = arith.constant 0 : i32
      %dma_wait3A_69 = tpu.memref_slice %arg10[%add3A_32, %dma_wait3A_68] : memref<10112x128xf32, #tpu.memory_space<vmem_shared>> -> memref<80x128xf32, #tpu.memory_space<vmem_shared>>
      tpu.wait_dma2 semaphore(%run_scoped3A_61 : memref<!tpu.dma_semaphore, #tpu.memory_space<semaphore_mem>>) src(%arg9 : memref<80x128xf32, #tpu.memory_space<vmem>>) dst(%dma_wait3A_69 : memref<80x128xf32, #tpu.memory_space<vmem_shared>>)
      tpu.yield
    }) : () -> ()
    %add3A_33 = arith.constant 400 : i32
    %add3A_34 = arith.addi %mul3A_22, %add3A_33 : i32
    "tpu.region"() ({
      %run_scoped3A_61 = tpu.sem_alloc : memref<!tpu.dma_semaphore, #tpu.memory_space<semaphore_mem>>
      %dma_start3A_62 = arith.constant 0 : i32
      %dma_start3A_63 = tpu.memref_slice %arg10[%add3A_34, %dma_start3A_62] : memref<10112x128xf32, #tpu.memory_space<vmem_shared>> -> memref<80x128xf32, #tpu.memory_space<vmem_shared>>
      %dma_start3A_64 = arith.constant 0 : i32
      %dma_start3A_65 = tpu.memref_slice %arg10[%add3A_34, %dma_start3A_64] : memref<10112x128xf32, #tpu.memory_space<vmem_shared>> -> memref<80x128xf32, #tpu.memory_space<vmem_shared>>
      tpu.enqueue_dma source(%arg9 : memref<80x128xf32, #tpu.memory_space<vmem>>) target(%dma_start3A_65 : memref<80x128xf32, #tpu.memory_space<vmem_shared>>) target_semaphore(%run_scoped3A_61 : memref<!tpu.dma_semaphore, #tpu.memory_space<semaphore_mem>>)
      %dma_wait3A_66 = arith.constant 0 : i32
      %dma_wait3A_67 = tpu.memref_slice %arg10[%add3A_34, %dma_wait3A_66] : memref<10112x128xf32, #tpu.memory_space<vmem_shared>> -> memref<80x128xf32, #tpu.memory_space<vmem_shared>>
      %dma_wait3A_68 = arith.constant 0 : i32
      %dma_wait3A_69 = tpu.memref_slice %arg10[%add3A_34, %dma_wait3A_68] : memref<10112x128xf32, #tpu.memory_space<vmem_shared>> -> memref<80x128xf32, #tpu.memory_space<vmem_shared>>
      tpu.wait_dma2 semaphore(%run_scoped3A_61 : memref<!tpu.dma_semaphore, #tpu.memory_space<semaphore_mem>>) src(%arg9 : memref<80x128xf32, #tpu.memory_space<vmem>>) dst(%dma_wait3A_69 : memref<80x128xf32, #tpu.memory_space<vmem_shared>>)
      tpu.yield
    }) : () -> ()
    %add3A_35 = arith.constant 480 : i32
    %add3A_36 = arith.addi %mul3A_22, %add3A_35 : i32
    "tpu.region"() ({
      %run_scoped3A_61 = tpu.sem_alloc : memref<!tpu.dma_semaphore, #tpu.memory_space<semaphore_mem>>
      %dma_start3A_62 = arith.constant 0 : i32
      %dma_start3A_63 = tpu.memref_slice %arg10[%add3A_36, %dma_start3A_62] : memref<10112x128xf32, #tpu.memory_space<vmem_shared>> -> memref<80x128xf32, #tpu.memory_space<vmem_shared>>
      %dma_start3A_64 = arith.constant 0 : i32
      %dma_start3A_65 = tpu.memref_slice %arg10[%add3A_36, %dma_start3A_64] : memref<10112x128xf32, #tpu.memory_space<vmem_shared>> -> memref<80x128xf32, #tpu.memory_space<vmem_shared>>
      tpu.enqueue_dma source(%arg9 : memref<80x128xf32, #tpu.memory_space<vmem>>) target(%dma_start3A_65 : memref<80x128xf32, #tpu.memory_space<vmem_shared>>) target_semaphore(%run_scoped3A_61 : memref<!tpu.dma_semaphore, #tpu.memory_space<semaphore_mem>>)
      %dma_wait3A_66 = arith.constant 0 : i32
      %dma_wait3A_67 = tpu.memref_slice %arg10[%add3A_36, %dma_wait3A_66] : memref<10112x128xf32, #tpu.memory_space<vmem_shared>> -> memref<80x128xf32, #tpu.memory_space<vmem_shared>>
      %dma_wait3A_68 = arith.constant 0 : i32
      %dma_wait3A_69 = tpu.memref_slice %arg10[%add3A_36, %dma_wait3A_68] : memref<10112x128xf32, #tpu.memory_space<vmem_shared>> -> memref<80x128xf32, #tpu.memory_space<vmem_shared>>
      tpu.wait_dma2 semaphore(%run_scoped3A_61 : memref<!tpu.dma_semaphore, #tpu.memory_space<semaphore_mem>>) src(%arg9 : memref<80x128xf32, #tpu.memory_space<vmem>>) dst(%dma_wait3A_69 : memref<80x128xf32, #tpu.memory_space<vmem_shared>>)
      tpu.yield
    }) : () -> ()
    %add3A_37 = arith.constant 560 : i32
    %add3A_38 = arith.addi %mul3A_22, %add3A_37 : i32
    "tpu.region"() ({
      %run_scoped3A_61 = tpu.sem_alloc : memref<!tpu.dma_semaphore, #tpu.memory_space<semaphore_mem>>
      %dma_start3A_62 = arith.constant 0 : i32
      %dma_start3A_63 = arith.constant 0 : i32
      %dma_start3A_64 = tpu.memref_slice %arg9[%dma_start3A_62, %dma_start3A_63] : memref<80x128xf32, #tpu.memory_space<vmem>> -> memref<72x128xf32, #tpu.memory_space<vmem>>
      %dma_start3A_65 = arith.constant 0 : i32
      %dma_start3A_66 = tpu.memref_slice %arg10[%add3A_38, %dma_start3A_65] : memref<10112x128xf32, #tpu.memory_space<vmem_shared>> -> memref<72x128xf32, #tpu.memory_space<vmem_shared>>
      %dma_start3A_67 = arith.constant 0 : i32
      %dma_start3A_68 = tpu.memref_slice %arg10[%add3A_38, %dma_start3A_67] : memref<10112x128xf32, #tpu.memory_space<vmem_shared>> -> memref<72x128xf32, #tpu.memory_space<vmem_shared>>
      %dma_start3A_69 = arith.constant 0 : i32
      %dma_start3A_70 = arith.constant 0 : i32
      %dma_start3A_71 = tpu.memref_slice %arg9[%dma_start3A_69, %dma_start3A_70] : memref<80x128xf32, #tpu.memory_space<vmem>> -> memref<72x128xf32, #tpu.memory_space<vmem>>
      tpu.enqueue_dma source(%dma_start3A_71 : memref<72x128xf32, #tpu.memory_space<vmem>>) target(%dma_start3A_68 : memref<72x128xf32, #tpu.memory_space<vmem_shared>>) target_semaphore(%run_scoped3A_61 : memref<!tpu.dma_semaphore, #tpu.memory_space<semaphore_mem>>)
      %dma_wait3A_72 = arith.constant 0 : i32
      %dma_wait3A_73 = arith.constant 0 : i32
      %dma_wait3A_74 = tpu.memref_slice %arg9[%dma_wait3A_72, %dma_wait3A_73] : memref<80x128xf32, #tpu.memory_space<vmem>> -> memref<72x128xf32, #tpu.memory_space<vmem>>
      %dma_wait3A_75 = arith.constant 0 : i32
      %dma_wait3A_76 = tpu.memref_slice %arg10[%add3A_38, %dma_wait3A_75] : memref<10112x128xf32, #tpu.memory_space<vmem_shared>> -> memref<72x128xf32, #tpu.memory_space<vmem_shared>>
      %dma_wait3A_77 = arith.constant 0 : i32
      %dma_wait3A_78 = tpu.memref_slice %arg10[%add3A_38, %dma_wait3A_77] : memref<10112x128xf32, #tpu.memory_space<vmem_shared>> -> memref<72x128xf32, #tpu.memory_space<vmem_shared>>
      %dma_wait3A_79 = arith.constant 0 : i32
      %dma_wait3A_80 = arith.constant 0 : i32
      %dma_wait3A_81 = tpu.memref_slice %arg9[%dma_wait3A_79, %dma_wait3A_80] : memref<80x128xf32, #tpu.memory_space<vmem>> -> memref<72x128xf32, #tpu.memory_space<vmem>>
      tpu.wait_dma2 semaphore(%run_scoped3A_61 : memref<!tpu.dma_semaphore, #tpu.memory_space<semaphore_mem>>) src(%dma_wait3A_81 : memref<72x128xf32, #tpu.memory_space<vmem>>) dst(%dma_wait3A_78 : memref<72x128xf32, #tpu.memory_space<vmem_shared>>)
      tpu.yield
    }) : () -> ()
    %barrier3A = arith.constant 0 : index
    tpu.barrier barrier_id(%barrier3A)
    %scan3A_39 = arith.constant 0 : i32
    %scan3A_40 = arith.constant 0 : i32
    %scan3A_41 = arith.constant 62 : i32
    %scan3A_42 = arith.addi %scan3A_40, %scan3A_41 : i32
    %scan3A_43 = arith.constant 1 : i32
    scf.for %scan3A_61 = %scan3A_40 to %scan3A_42 step %scan3A_43  : i32 {
      %mul3A_62 = arith.constant 2 : i32
      %mul3A_63 = arith.muli %mul3A_62, %scan3A_61 : i32
      %add3A_64 = arith.constant 1 : i32
      %add3A_65 = arith.addi %mul3A_63, %add3A_64 : i32
      %mul3A_66 = arith.constant 80 : i32
      %mul3A_67 = arith.muli %add3A_65, %mul3A_66 : i32
      %add3A_68 = arith.constant 0 : i32
      %add3A_69 = arith.addi %mul3A_67, %add3A_68 : i32
      %dma_start3A_70 = arith.constant 0 : i32
      %dma_start3A_71 = arith.constant 0 : i32
      %dma_start3A_72 = tpu.memref_slice %arg9[%dma_start3A_70, %dma_start3A_71] : memref<80x128xf32, #tpu.memory_space<vmem>> -> memref<40x128xf32, #tpu.memory_space<vmem>>
      %dma_start3A_73 = tpu.memref_slice %arg6[%add3A_69] : memref<10000xi32, #tpu.memory_space<vmem>> -> memref<40xi32, #tpu.memory_space<vmem>>
      %dma_start3A_74 = arith.constant 0 : i32
      %dma_start3A_75 = arith.constant 0 : i32
      %dma_start3A_76 = tpu.memref_slice %arg2[%dma_start3A_74, %dma_start3A_75] : memref<10000x128xf32, #tpu.memory_space<hbm>> -> memref<10000x128xf32, #tpu.memory_space<hbm>>
      tpu.enqueue_indirect_dma source(%dma_start3A_76 : memref<10000x128xf32, #tpu.memory_space<hbm>>) target(%dma_start3A_72 : memref<40x128xf32, #tpu.memory_space<vmem>>) offsets(%dma_start3A_73 : memref<40xi32, #tpu.memory_space<vmem>>) semaphore(%arg13 : memref<!tpu.dma_semaphore, #tpu.memory_space<semaphore_mem>>)
      %mul3A_77 = arith.constant 80 : i32
      %mul3A_78 = arith.muli %add3A_65, %mul3A_77 : i32
      %add3A_79 = arith.constant 40 : i32
      %add3A_80 = arith.addi %mul3A_78, %add3A_79 : i32
      %dma_start3A_81 = arith.constant 40 : i32
      %dma_start3A_82 = arith.constant 0 : i32
      %dma_start3A_83 = tpu.memref_slice %arg9[%dma_start3A_81, %dma_start3A_82] : memref<80x128xf32, #tpu.memory_space<vmem>> -> memref<40x128xf32, #tpu.memory_space<vmem>>
      %dma_start3A_84 = tpu.memref_slice %arg6[%add3A_80] : memref<10000xi32, #tpu.memory_space<vmem>> -> memref<40xi32, #tpu.memory_space<vmem>>
      %dma_start3A_85 = arith.constant 0 : i32
      %dma_start3A_86 = arith.constant 0 : i32
      %dma_start3A_87 = tpu.memref_slice %arg2[%dma_start3A_85, %dma_start3A_86] : memref<10000x128xf32, #tpu.memory_space<hbm>> -> memref<10000x128xf32, #tpu.memory_space<hbm>>
      tpu.enqueue_indirect_dma source(%dma_start3A_87 : memref<10000x128xf32, #tpu.memory_space<hbm>>) target(%dma_start3A_83 : memref<40x128xf32, #tpu.memory_space<vmem>>) offsets(%dma_start3A_84 : memref<40xi32, #tpu.memory_space<vmem>>) semaphore(%arg14 : memref<!tpu.dma_semaphore, #tpu.memory_space<semaphore_mem>>)
      %mul3A_88 = arith.constant 80 : i32
      %mul3A_89 = arith.muli %mul3A_63, %mul3A_88 : i32
      %add3A_90 = arith.constant 0 : i32
      %add3A_91 = arith.addi %mul3A_89, %add3A_90 : i32
      %dma_wait3A_92 = arith.constant 0 : i32
      %dma_wait3A_93 = arith.constant 0 : i32
      %dma_wait3A_94 = tpu.memref_slice %arg8[%dma_wait3A_92, %dma_wait3A_93] : memref<80x128xf32, #tpu.memory_space<vmem>> -> memref<40x128xf32, #tpu.memory_space<vmem>>
      %dma_wait3A_95 = tpu.memref_slice %arg6[%add3A_91] : memref<10000xi32, #tpu.memory_space<vmem>> -> memref<40xi32, #tpu.memory_space<vmem>>
      %dma_wait3A_96 = arith.constant 0 : i32
      %dma_wait3A_97 = arith.constant 0 : i32
      %dma_wait3A_98 = tpu.memref_slice %arg2[%dma_wait3A_96, %dma_wait3A_97] : memref<10000x128xf32, #tpu.memory_space<hbm>> -> memref<10000x128xf32, #tpu.memory_space<hbm>>
      tpu.wait_indirect_dma semaphore(%arg11 : memref<!tpu.dma_semaphore, #tpu.memory_space<semaphore_mem>>) src(%dma_wait3A_98 : memref<10000x128xf32, #tpu.memory_space<hbm>>) dst(%dma_wait3A_94 : memref<40x128xf32, #tpu.memory_space<vmem>>)
      %mul3A_99 = arith.constant 80 : i32
      %mul3A_100 = arith.muli %mul3A_63, %mul3A_99 : i32
      %add3A_101 = arith.constant 40 : i32
      %add3A_102 = arith.addi %mul3A_100, %add3A_101 : i32
      %dma_wait3A_103 = arith.constant 40 : i32
      %dma_wait3A_104 = arith.constant 0 : i32
      %dma_wait3A_105 = tpu.memref_slice %arg8[%dma_wait3A_103, %dma_wait3A_104] : memref<80x128xf32, #tpu.memory_space<vmem>> -> memref<40x128xf32, #tpu.memory_space<vmem>>
      %dma_wait3A_106 = tpu.memref_slice %arg6[%add3A_102] : memref<10000xi32, #tpu.memory_space<vmem>> -> memref<40xi32, #tpu.memory_space<vmem>>
      %dma_wait3A_107 = arith.constant 0 : i32
      %dma_wait3A_108 = arith.constant 0 : i32
      %dma_wait3A_109 = tpu.memref_slice %arg2[%dma_wait3A_107, %dma_wait3A_108] : memref<10000x128xf32, #tpu.memory_space<hbm>> -> memref<10000x128xf32, #tpu.memory_space<hbm>>
      tpu.wait_indirect_dma semaphore(%arg12 : memref<!tpu.dma_semaphore, #tpu.memory_space<semaphore_mem>>) src(%dma_wait3A_109 : memref<10000x128xf32, #tpu.memory_space<hbm>>) dst(%dma_wait3A_105 : memref<40x128xf32, #tpu.memory_space<vmem>>)
      "tpu.region"() ({
        %run_scoped3A_156 = tpu.sem_alloc : memref<!tpu.dma_semaphore, #tpu.memory_space<semaphore_mem>>
        %dma_start3A_157 = arith.constant 0 : i32
        %dma_start3A_158 = tpu.memref_slice %arg7[%mul3A_63, %dma_start3A_157] : memref<125x80xi32, #tpu.memory_space<vmem>> -> memref<1x80xi32, #tpu.memory_space<vmem>>
        %dma_start3A_159 = tpu.memref_squeeze %dma_start3A_158 : memref<1x80xi32, #tpu.memory_space<vmem>> -> memref<80xi32, #tpu.memory_space<vmem>>
        %dma_start3A_160 = arith.constant 0 : i32
        %dma_start3A_161 = arith.constant 0 : i32
        %dma_start3A_162 = tpu.memref_slice %arg10[%dma_start3A_160, %dma_start3A_161] : memref<10112x128xf32, #tpu.memory_space<vmem_shared>> -> memref<10112x128xf32, #tpu.memory_space<vmem_shared>>
        tpu.enqueue_indirect_dma source(%arg8 : memref<80x128xf32, #tpu.memory_space<vmem>>) target(%dma_start3A_162 : memref<10112x128xf32, #tpu.memory_space<vmem_shared>>) offsets(%dma_start3A_159 : memref<80xi32, #tpu.memory_space<vmem>>) semaphore(%run_scoped3A_156 : memref<!tpu.dma_semaphore, #tpu.memory_space<semaphore_mem>>) {add = true}
        %dma_wait3A_163 = arith.constant 0 : i32
        %dma_wait3A_164 = tpu.memref_slice %arg7[%mul3A_63, %dma_wait3A_163] : memref<125x80xi32, #tpu.memory_space<vmem>> -> memref<1x80xi32, #tpu.memory_space<vmem>>
        %dma_wait3A_165 = tpu.memref_squeeze %dma_wait3A_164 : memref<1x80xi32, #tpu.memory_space<vmem>> -> memref<80xi32, #tpu.memory_space<vmem>>
        %dma_wait3A_166 = arith.constant 0 : i32
        %dma_wait3A_167 = arith.constant 0 : i32
        %dma_wait3A_168 = tpu.memref_slice %arg10[%dma_wait3A_166, %dma_wait3A_167] : memref<10112x128xf32, #tpu.memory_space<vmem_shared>> -> memref<10112x128xf32, #tpu.memory_space<vmem_shared>>
        tpu.wait_indirect_dma semaphore(%run_scoped3A_156 : memref<!tpu.dma_semaphore, #tpu.memory_space<semaphore_mem>>) src(%arg8 : memref<80x128xf32, #tpu.memory_space<vmem>>) dst(%dma_wait3A_168 : memref<10112x128xf32, #tpu.memory_space<vmem_shared>>)
        tpu.yield
      }) : () -> ()
      %add3A_110 = arith.constant 2 : i32
      %add3A_111 = arith.addi %mul3A_63, %add3A_110 : i32
      %mul3A_112 = arith.constant 80 : i32
      %mul3A_113 = arith.muli %add3A_111, %mul3A_112 : i32
      %add3A_114 = arith.constant 0 : i32
      %add3A_115 = arith.addi %mul3A_113, %add3A_114 : i32
      %dma_start3A_116 = arith.constant 0 : i32
      %dma_start3A_117 = arith.constant 0 : i32
      %dma_start3A_118 = tpu.memref_slice %arg8[%dma_start3A_116, %dma_start3A_117] : memref<80x128xf32, #tpu.memory_space<vmem>> -> memref<40x128xf32, #tpu.memory_space<vmem>>
      %dma_start3A_119 = tpu.memref_slice %arg6[%add3A_115] : memref<10000xi32, #tpu.memory_space<vmem>> -> memref<40xi32, #tpu.memory_space<vmem>>
      %dma_start3A_120 = arith.constant 0 : i32
      %dma_start3A_121 = arith.constant 0 : i32
      %dma_start3A_122 = tpu.memref_slice %arg2[%dma_start3A_120, %dma_start3A_121] : memref<10000x128xf32, #tpu.memory_space<hbm>> -> memref<10000x128xf32, #tpu.memory_space<hbm>>
      tpu.enqueue_indirect_dma source(%dma_start3A_122 : memref<10000x128xf32, #tpu.memory_space<hbm>>) target(%dma_start3A_118 : memref<40x128xf32, #tpu.memory_space<vmem>>) offsets(%dma_start3A_119 : memref<40xi32, #tpu.memory_space<vmem>>) semaphore(%arg11 : memref<!tpu.dma_semaphore, #tpu.memory_space<semaphore_mem>>)
      %mul3A_123 = arith.constant 80 : i32
      %mul3A_124 = arith.muli %add3A_111, %mul3A_123 : i32
      %add3A_125 = arith.constant 40 : i32
      %add3A_126 = arith.addi %mul3A_124, %add3A_125 : i32
      %dma_start3A_127 = arith.constant 40 : i32
      %dma_start3A_128 = arith.constant 0 : i32
      %dma_start3A_129 = tpu.memref_slice %arg8[%dma_start3A_127, %dma_start3A_128] : memref<80x128xf32, #tpu.memory_space<vmem>> -> memref<40x128xf32, #tpu.memory_space<vmem>>
      %dma_start3A_130 = tpu.memref_slice %arg6[%add3A_126] : memref<10000xi32, #tpu.memory_space<vmem>> -> memref<40xi32, #tpu.memory_space<vmem>>
      %dma_start3A_131 = arith.constant 0 : i32
      %dma_start3A_132 = arith.constant 0 : i32
      %dma_start3A_133 = tpu.memref_slice %arg2[%dma_start3A_131, %dma_start3A_132] : memref<10000x128xf32, #tpu.memory_space<hbm>> -> memref<10000x128xf32, #tpu.memory_space<hbm>>
      tpu.enqueue_indirect_dma source(%dma_start3A_133 : memref<10000x128xf32, #tpu.memory_space<hbm>>) target(%dma_start3A_129 : memref<40x128xf32, #tpu.memory_space<vmem>>) offsets(%dma_start3A_130 : memref<40xi32, #tpu.memory_space<vmem>>) semaphore(%arg12 : memref<!tpu.dma_semaphore, #tpu.memory_space<semaphore_mem>>)
      %mul3A_134 = arith.constant 80 : i32
      %mul3A_135 = arith.muli %add3A_65, %mul3A_134 : i32
      %add3A_136 = arith.constant 0 : i32
      %add3A_137 = arith.addi %mul3A_135, %add3A_136 : i32
      %dma_wait3A_138 = arith.constant 0 : i32
      %dma_wait3A_139 = arith.constant 0 : i32
      %dma_wait3A_140 = tpu.memref_slice %arg9[%dma_wait3A_138, %dma_wait3A_139] : memref<80x128xf32, #tpu.memory_space<vmem>> -> memref<40x128xf32, #tpu.memory_space<vmem>>
      %dma_wait3A_141 = tpu.memref_slice %arg6[%add3A_137] : memref<10000xi32, #tpu.memory_space<vmem>> -> memref<40xi32, #tpu.memory_space<vmem>>
      %dma_wait3A_142 = arith.constant 0 : i32
      %dma_wait3A_143 = arith.constant 0 : i32
      %dma_wait3A_144 = tpu.memref_slice %arg2[%dma_wait3A_142, %dma_wait3A_143] : memref<10000x128xf32, #tpu.memory_space<hbm>> -> memref<10000x128xf32, #tpu.memory_space<hbm>>
      tpu.wait_indirect_dma semaphore(%arg13 : memref<!tpu.dma_semaphore, #tpu.memory_space<semaphore_mem>>) src(%dma_wait3A_144 : memref<10000x128xf32, #tpu.memory_space<hbm>>) dst(%dma_wait3A_140 : memref<40x128xf32, #tpu.memory_space<vmem>>)
      %mul3A_145 = arith.constant 80 : i32
      %mul3A_146 = arith.muli %add3A_65, %mul3A_145 : i32
      %add3A_147 = arith.constant 40 : i32
      %add3A_148 = arith.addi %mul3A_146, %add3A_147 : i32
      %dma_wait3A_149 = arith.constant 40 : i32
      %dma_wait3A_150 = arith.constant 0 : i32
      %dma_wait3A_151 = tpu.memref_slice %arg9[%dma_wait3A_149, %dma_wait3A_150] : memref<80x128xf32, #tpu.memory_space<vmem>> -> memref<40x128xf32, #tpu.memory_space<vmem>>
      %dma_wait3A_152 = tpu.memref_slice %arg6[%add3A_148] : memref<10000xi32, #tpu.memory_space<vmem>> -> memref<40xi32, #tpu.memory_space<vmem>>
      %dma_wait3A_153 = arith.constant 0 : i32
      %dma_wait3A_154 = arith.constant 0 : i32
      %dma_wait3A_155 = tpu.memref_slice %arg2[%dma_wait3A_153, %dma_wait3A_154] : memref<10000x128xf32, #tpu.memory_space<hbm>> -> memref<10000x128xf32, #tpu.memory_space<hbm>>
      tpu.wait_indirect_dma semaphore(%arg14 : memref<!tpu.dma_semaphore, #tpu.memory_space<semaphore_mem>>) src(%dma_wait3A_155 : memref<10000x128xf32, #tpu.memory_space<hbm>>) dst(%dma_wait3A_151 : memref<40x128xf32, #tpu.memory_space<vmem>>)
      "tpu.region"() ({
        %run_scoped3A_156 = tpu.sem_alloc : memref<!tpu.dma_semaphore, #tpu.memory_space<semaphore_mem>>
        %dma_start3A_157 = arith.constant 0 : i32
        %dma_start3A_158 = tpu.memref_slice %arg7[%add3A_65, %dma_start3A_157] : memref<125x80xi32, #tpu.memory_space<vmem>> -> memref<1x80xi32, #tpu.memory_space<vmem>>
        %dma_start3A_159 = tpu.memref_squeeze %dma_start3A_158 : memref<1x80xi32, #tpu.memory_space<vmem>> -> memref<80xi32, #tpu.memory_space<vmem>>
        %dma_start3A_160 = arith.constant 0 : i32
        %dma_start3A_161 = arith.constant 0 : i32
        %dma_start3A_162 = tpu.memref_slice %arg10[%dma_start3A_160, %dma_start3A_161] : memref<10112x128xf32, #tpu.memory_space<vmem_shared>> -> memref<10112x128xf32, #tpu.memory_space<vmem_shared>>
        tpu.enqueue_indirect_dma source(%arg9 : memref<80x128xf32, #tpu.memory_space<vmem>>) target(%dma_start3A_162 : memref<10112x128xf32, #tpu.memory_space<vmem_shared>>) offsets(%dma_start3A_159 : memref<80xi32, #tpu.memory_space<vmem>>) semaphore(%run_scoped3A_156 : memref<!tpu.dma_semaphore, #tpu.memory_space<semaphore_mem>>) {add = true}
        %dma_wait3A_163 = arith.constant 0 : i32
        %dma_wait3A_164 = tpu.memref_slice %arg7[%add3A_65, %dma_wait3A_163] : memref<125x80xi32, #tpu.memory_space<vmem>> -> memref<1x80xi32, #tpu.memory_space<vmem>>
        %dma_wait3A_165 = tpu.memref_squeeze %dma_wait3A_164 : memref<1x80xi32, #tpu.memory_space<vmem>> -> memref<80xi32, #tpu.memory_space<vmem>>
        %dma_wait3A_166 = arith.constant 0 : i32
        %dma_wait3A_167 = arith.constant 0 : i32
        %dma_wait3A_168 = tpu.memref_slice %arg10[%dma_wait3A_166, %dma_wait3A_167] : memref<10112x128xf32, #tpu.memory_space<vmem_shared>> -> memref<10112x128xf32, #tpu.memory_space<vmem_shared>>
        tpu.wait_indirect_dma semaphore(%run_scoped3A_156 : memref<!tpu.dma_semaphore, #tpu.memory_space<semaphore_mem>>) src(%arg9 : memref<80x128xf32, #tpu.memory_space<vmem>>) dst(%dma_wait3A_168 : memref<10112x128xf32, #tpu.memory_space<vmem_shared>>)
        tpu.yield
      }) : () -> ()
    }
    %scan3A_44 = arith.constant 62 : i32
    %dma_wait3A = arith.constant 0 : i32
    %dma_wait3A_45 = arith.constant 0 : i32
    %dma_wait3A_46 = tpu.memref_slice %arg8[%dma_wait3A, %dma_wait3A_45] : memref<80x128xf32, #tpu.memory_space<vmem>> -> memref<40x128xf32, #tpu.memory_space<vmem>>
    %dma_wait3A_47 = arith.constant 9920 : i32
    %dma_wait3A_48 = tpu.memref_slice %arg6[%dma_wait3A_47] : memref<10000xi32, #tpu.memory_space<vmem>> -> memref<40xi32, #tpu.memory_space<vmem>>
    %dma_wait3A_49 = arith.constant 0 : i32
    %dma_wait3A_50 = arith.constant 0 : i32
    %dma_wait3A_51 = tpu.memref_slice %arg2[%dma_wait3A_49, %dma_wait3A_50] : memref<10000x128xf32, #tpu.memory_space<hbm>> -> memref<10000x128xf32, #tpu.memory_space<hbm>>
    tpu.wait_indirect_dma semaphore(%arg11 : memref<!tpu.dma_semaphore, #tpu.memory_space<semaphore_mem>>) src(%dma_wait3A_51 : memref<10000x128xf32, #tpu.memory_space<hbm>>) dst(%dma_wait3A_46 : memref<40x128xf32, #tpu.memory_space<vmem>>)
    %dma_wait3A_52 = arith.constant 40 : i32
    %dma_wait3A_53 = arith.constant 0 : i32
    %dma_wait3A_54 = tpu.memref_slice %arg8[%dma_wait3A_52, %dma_wait3A_53] : memref<80x128xf32, #tpu.memory_space<vmem>> -> memref<40x128xf32, #tpu.memory_space<vmem>>
    %dma_wait3A_55 = arith.constant 9960 : i32
    %dma_wait3A_56 = tpu.memref_slice %arg6[%dma_wait3A_55] : memref<10000xi32, #tpu.memory_space<vmem>> -> memref<40xi32, #tpu.memory_space<vmem>>
    %dma_wait3A_57 = arith.constant 0 : i32
    %dma_wait3A_58 = arith.constant 0 : i32
    %dma_wait3A_59 = tpu.memref_slice %arg2[%dma_wait3A_57, %dma_wait3A_58] : memref<10000x128xf32, #tpu.memory_space<hbm>> -> memref<10000x128xf32, #tpu.memory_space<hbm>>
    tpu.wait_indirect_dma semaphore(%arg12 : memref<!tpu.dma_semaphore, #tpu.memory_space<semaphore_mem>>) src(%dma_wait3A_59 : memref<10000x128xf32, #tpu.memory_space<hbm>>) dst(%dma_wait3A_54 : memref<40x128xf32, #tpu.memory_space<vmem>>)
    %run_scoped3A = arith.constant 124 : i32
    "tpu.region"() ({
      %run_scoped3A_61 = tpu.sem_alloc : memref<!tpu.dma_semaphore, #tpu.memory_space<semaphore_mem>>
      %dma_start3A_62 = arith.constant 0 : i32
      %dma_start3A_63 = tpu.memref_slice %arg7[%run_scoped3A, %dma_start3A_62] : memref<125x80xi32, #tpu.memory_space<vmem>> -> memref<1x80xi32, #tpu.memory_space<vmem>>
      %dma_start3A_64 = tpu.memref_squeeze %dma_start3A_63 : memref<1x80xi32, #tpu.memory_space<vmem>> -> memref<80xi32, #tpu.memory_space<vmem>>
      %dma_start3A_65 = arith.constant 0 : i32
      %dma_start3A_66 = arith.constant 0 : i32
      %dma_start3A_67 = tpu.memref_slice %arg10[%dma_start3A_65, %dma_start3A_66] : memref<10112x128xf32, #tpu.memory_space<vmem_shared>> -> memref<10112x128xf32, #tpu.memory_space<vmem_shared>>
      tpu.enqueue_indirect_dma source(%arg8 : memref<80x128xf32, #tpu.memory_space<vmem>>) target(%dma_start3A_67 : memref<10112x128xf32, #tpu.memory_space<vmem_shared>>) offsets(%dma_start3A_64 : memref<80xi32, #tpu.memory_space<vmem>>) semaphore(%run_scoped3A_61 : memref<!tpu.dma_semaphore, #tpu.memory_space<semaphore_mem>>) {add = true}
      %dma_wait3A_68 = arith.constant 0 : i32
      %dma_wait3A_69 = tpu.memref_slice %arg7[%run_scoped3A, %dma_wait3A_68] : memref<125x80xi32, #tpu.memory_space<vmem>> -> memref<1x80xi32, #tpu.memory_space<vmem>>
      %dma_wait3A_70 = tpu.memref_squeeze %dma_wait3A_69 : memref<1x80xi32, #tpu.memory_space<vmem>> -> memref<80xi32, #tpu.memory_space<vmem>>
      %dma_wait3A_71 = arith.constant 0 : i32
      %dma_wait3A_72 = arith.constant 0 : i32
      %dma_wait3A_73 = tpu.memref_slice %arg10[%dma_wait3A_71, %dma_wait3A_72] : memref<10112x128xf32, #tpu.memory_space<vmem_shared>> -> memref<10112x128xf32, #tpu.memory_space<vmem_shared>>
      tpu.wait_indirect_dma semaphore(%run_scoped3A_61 : memref<!tpu.dma_semaphore, #tpu.memory_space<semaphore_mem>>) src(%arg8 : memref<80x128xf32, #tpu.memory_space<vmem>>) dst(%dma_wait3A_73 : memref<10112x128xf32, #tpu.memory_space<vmem_shared>>)
      tpu.yield
    }) : () -> ()
    %barrier3A_60 = arith.constant 0 : index
    tpu.barrier barrier_id(%barrier3A_60)
    "tpu.region"() ({
      %run_scoped3A_61 = tpu.sem_alloc : memref<!tpu.dma_semaphore, #tpu.memory_space<semaphore_mem>>
      %dma_start3A_62 = arith.constant 0 : i32
      %dma_start3A_63 = tpu.memref_slice %arg5[%arg0, %mul3A_22, %dma_start3A_62] : memref<2x10112x128xf32, #tpu.memory_space<hbm>> -> memref<1x632x128xf32, #tpu.memory_space<hbm>>
      %dma_start3A_64 = tpu.memref_squeeze %dma_start3A_63 : memref<1x632x128xf32, #tpu.memory_space<hbm>> -> memref<632x128xf32, #tpu.memory_space<hbm>>
      %dma_start3A_65 = arith.constant 0 : i32
      %dma_start3A_66 = tpu.memref_slice %arg10[%mul3A_22, %dma_start3A_65] : memref<10112x128xf32, #tpu.memory_space<vmem_shared>> -> memref<632x128xf32, #tpu.memory_space<vmem_shared>>
      tpu.enqueue_dma source(%dma_start3A_66 : memref<632x128xf32, #tpu.memory_space<vmem_shared>>) target(%dma_start3A_64 : memref<632x128xf32, #tpu.memory_space<hbm>>) target_semaphore(%run_scoped3A_61 : memref<!tpu.dma_semaphore, #tpu.memory_space<semaphore_mem>>)
      %dma_wait3A_67 = arith.constant 0 : i32
      %dma_wait3A_68 = tpu.memref_slice %arg5[%arg0, %mul3A_22, %dma_wait3A_67] : memref<2x10112x128xf32, #tpu.memory_space<hbm>> -> memref<1x632x128xf32, #tpu.memory_space<hbm>>
      %dma_wait3A_69 = tpu.memref_squeeze %dma_wait3A_68 : memref<1x632x128xf32, #tpu.memory_space<hbm>> -> memref<632x128xf32, #tpu.memory_space<hbm>>
      %dma_wait3A_70 = arith.constant 0 : i32
      %dma_wait3A_71 = tpu.memref_slice %arg10[%mul3A_22, %dma_wait3A_70] : memref<10112x128xf32, #tpu.memory_space<vmem_shared>> -> memref<632x128xf32, #tpu.memory_space<vmem_shared>>
      tpu.wait_dma2 semaphore(%run_scoped3A_61 : memref<!tpu.dma_semaphore, #tpu.memory_space<semaphore_mem>>) src(%dma_wait3A_71 : memref<632x128xf32, #tpu.memory_space<vmem_shared>>) dst(%dma_wait3A_69 : memref<632x128xf32, #tpu.memory_space<hbm>>)
      tpu.yield
    }) : () -> ()
    return
  }
}

#map = affine_map<(d0, d1) -> (0, 0)>
#map1 = affine_map<(d0, d1) -> (0, 0, 0)>
module attributes {stable_mosaic.version = 14 : i64} {
  func.func @_sc_agg(%arg0: i32, %arg1: i32, %arg2: memref<10000x128xf32, #tpu.memory_space<hbm>>, %arg3: memref<32x10000xi32, #tpu.memory_space<hbm>>, %arg4: memref<32x125x80xi32, #tpu.memory_space<hbm>>, %arg5: memref<2x10112x128xf32, #tpu.memory_space<hbm>>, %arg6: memref<10000xi32, #tpu.memory_space<vmem>>, %arg7: memref<125x80xi32, #tpu.memory_space<vmem>>, %arg8: memref<80x128xf32, #tpu.memory_space<vmem>>, %arg9: memref<80x128xf32, #tpu.memory_space<vmem>>, %arg10: memref<10112x128xf32, #tpu.memory_space<vmem_shared>>, %arg11: memref<!tpu.dma_semaphore, #tpu.memory_space<semaphore_mem>>, %arg12: memref<!tpu.dma_semaphore, #tpu.memory_space<semaphore_mem>>, %arg13: memref<!tpu.dma_semaphore, #tpu.memory_space<semaphore_mem>>, %arg14: memref<!tpu.dma_semaphore, #tpu.memory_space<semaphore_mem>>) attributes {dimension_semantics = [#tpu.dimension_semantics<core_parallel>, #tpu.dimension_semantics<subcore_parallel>], iteration_bounds = array<i64: 2, 16>, scalar_prefetch = 0 : i64, scratch_operands = 9 : i64, tpu.core_type = #tpu.core_type<sc_vector_subcore>, window_params = [{transform_indices = #map}, {transform_indices = #map}, {transform_indices = #map1}, {transform_indices = #map1}]} {
    %mul3A = arith.constant 2 : i32
    %mul3A_0 = arith.muli %arg1, %mul3A : i32
    %add3A = arith.addi %mul3A_0, %arg0 : i32
    "tpu.region"() ({
      %run_scoped3A_61 = tpu.sem_alloc : memref<!tpu.dma_semaphore, #tpu.memory_space<semaphore_mem>>
      %dma_start3A_62 = arith.constant 0 : i32
      %dma_start3A_63 = tpu.memref_slice %arg3[%add3A, %dma_start3A_62] : memref<32x10000xi32, #tpu.memory_space<hbm>> -> memref<1x10000xi32, #tpu.memory_space<hbm>>
      %dma_start3A_64 = tpu.memref_squeeze %dma_start3A_63 : memref<1x10000xi32, #tpu.memory_space<hbm>> -> memref<10000xi32, #tpu.memory_space<hbm>>
      %dma_start3A_65 = arith.constant 0 : i32
      %dma_start3A_66 = tpu.memref_slice %arg3[%add3A, %dma_start3A_65] : memref<32x10000xi32, #tpu.memory_space<hbm>> -> memref<1x10000xi32, #tpu.memory_space<hbm>>
      %dma_start3A_67 = tpu.memref_squeeze %dma_start3A_66 : memref<1x10000xi32, #tpu.memory_space<hbm>> -> memref<10000xi32, #tpu.memory_space<hbm>>
      tpu.enqueue_dma source(%dma_start3A_67 : memref<10000xi32, #tpu.memory_space<hbm>>) target(%arg6 : memref<10000xi32, #tpu.memory_space<vmem>>) target_semaphore(%run_scoped3A_61 : memref<!tpu.dma_semaphore, #tpu.memory_space<semaphore_mem>>)
      %dma_wait3A_68 = arith.constant 0 : i32
      %dma_wait3A_69 = tpu.memref_slice %arg3[%add3A, %dma_wait3A_68] : memref<32x10000xi32, #tpu.memory_space<hbm>> -> memref<1x10000xi32, #tpu.memory_space<hbm>>
      %dma_wait3A_70 = tpu.memref_squeeze %dma_wait3A_69 : memref<1x10000xi32, #tpu.memory_space<hbm>> -> memref<10000xi32, #tpu.memory_space<hbm>>
      %dma_wait3A_71 = arith.constant 0 : i32
      %dma_wait3A_72 = tpu.memref_slice %arg3[%add3A, %dma_wait3A_71] : memref<32x10000xi32, #tpu.memory_space<hbm>> -> memref<1x10000xi32, #tpu.memory_space<hbm>>
      %dma_wait3A_73 = tpu.memref_squeeze %dma_wait3A_72 : memref<1x10000xi32, #tpu.memory_space<hbm>> -> memref<10000xi32, #tpu.memory_space<hbm>>
      tpu.wait_dma2 semaphore(%run_scoped3A_61 : memref<!tpu.dma_semaphore, #tpu.memory_space<semaphore_mem>>) src(%dma_wait3A_73 : memref<10000xi32, #tpu.memory_space<hbm>>) dst(%arg6 : memref<10000xi32, #tpu.memory_space<vmem>>)
      tpu.yield
    }) : () -> ()
    "tpu.region"() ({
      %run_scoped3A_61 = tpu.sem_alloc : memref<!tpu.dma_semaphore, #tpu.memory_space<semaphore_mem>>
      %dma_start3A_62 = arith.constant 0 : i32
      %dma_start3A_63 = arith.constant 0 : i32
      %dma_start3A_64 = tpu.memref_slice %arg4[%add3A, %dma_start3A_62, %dma_start3A_63] : memref<32x125x80xi32, #tpu.memory_space<hbm>> -> memref<1x125x80xi32, #tpu.memory_space<hbm>>
      %dma_start3A_65 = tpu.memref_squeeze %dma_start3A_64 : memref<1x125x80xi32, #tpu.memory_space<hbm>> -> memref<125x80xi32, #tpu.memory_space<hbm>>
      %dma_start3A_66 = arith.constant 0 : i32
      %dma_start3A_67 = arith.constant 0 : i32
      %dma_start3A_68 = tpu.memref_slice %arg4[%add3A, %dma_start3A_66, %dma_start3A_67] : memref<32x125x80xi32, #tpu.memory_space<hbm>> -> memref<1x125x80xi32, #tpu.memory_space<hbm>>
      %dma_start3A_69 = tpu.memref_squeeze %dma_start3A_68 : memref<1x125x80xi32, #tpu.memory_space<hbm>> -> memref<125x80xi32, #tpu.memory_space<hbm>>
      tpu.enqueue_dma source(%dma_start3A_69 : memref<125x80xi32, #tpu.memory_space<hbm>>) target(%arg7 : memref<125x80xi32, #tpu.memory_space<vmem>>) target_semaphore(%run_scoped3A_61 : memref<!tpu.dma_semaphore, #tpu.memory_space<semaphore_mem>>)
      %dma_wait3A_70 = arith.constant 0 : i32
      %dma_wait3A_71 = arith.constant 0 : i32
      %dma_wait3A_72 = tpu.memref_slice %arg4[%add3A, %dma_wait3A_70, %dma_wait3A_71] : memref<32x125x80xi32, #tpu.memory_space<hbm>> -> memref<1x125x80xi32, #tpu.memory_space<hbm>>
      %dma_wait3A_73 = tpu.memref_squeeze %dma_wait3A_72 : memref<1x125x80xi32, #tpu.memory_space<hbm>> -> memref<125x80xi32, #tpu.memory_space<hbm>>
      %dma_wait3A_74 = arith.constant 0 : i32
      %dma_wait3A_75 = arith.constant 0 : i32
      %dma_wait3A_76 = tpu.memref_slice %arg4[%add3A, %dma_wait3A_74, %dma_wait3A_75] : memref<32x125x80xi32, #tpu.memory_space<hbm>> -> memref<1x125x80xi32, #tpu.memory_space<hbm>>
      %dma_wait3A_77 = tpu.memref_squeeze %dma_wait3A_76 : memref<1x125x80xi32, #tpu.memory_space<hbm>> -> memref<125x80xi32, #tpu.memory_space<hbm>>
      tpu.wait_dma2 semaphore(%run_scoped3A_61 : memref<!tpu.dma_semaphore, #tpu.memory_space<semaphore_mem>>) src(%dma_wait3A_77 : memref<125x80xi32, #tpu.memory_space<hbm>>) dst(%arg7 : memref<125x80xi32, #tpu.memory_space<vmem>>)
      tpu.yield
    }) : () -> ()
    %dma_start3A = arith.constant 0 : i32
    %dma_start3A_1 = arith.constant 0 : i32
    %dma_start3A_2 = tpu.memref_slice %arg8[%dma_start3A, %dma_start3A_1] : memref<80x128xf32, #tpu.memory_space<vmem>> -> memref<40x128xf32, #tpu.memory_space<vmem>>
    %dma_start3A_3 = arith.constant 0 : i32
    %dma_start3A_4 = tpu.memref_slice %arg6[%dma_start3A_3] : memref<10000xi32, #tpu.memory_space<vmem>> -> memref<40xi32, #tpu.memory_space<vmem>>
    %dma_start3A_5 = arith.constant 0 : i32
    %dma_start3A_6 = arith.constant 0 : i32
    %dma_start3A_7 = tpu.memref_slice %arg2[%dma_start3A_5, %dma_start3A_6] : memref<10000x128xf32, #tpu.memory_space<hbm>> -> memref<10000x128xf32, #tpu.memory_space<hbm>>
    tpu.enqueue_indirect_dma source(%dma_start3A_7 : memref<10000x128xf32, #tpu.memory_space<hbm>>) target(%dma_start3A_2 : memref<40x128xf32, #tpu.memory_space<vmem>>) offsets(%dma_start3A_4 : memref<40xi32, #tpu.memory_space<vmem>>) semaphore(%arg11 : memref<!tpu.dma_semaphore, #tpu.memory_space<semaphore_mem>>)
    %dma_start3A_8 = arith.constant 40 : i32
    %dma_start3A_9 = arith.constant 0 : i32
    %dma_start3A_10 = tpu.memref_slice %arg8[%dma_start3A_8, %dma_start3A_9] : memref<80x128xf32, #tpu.memory_space<vmem>> -> memref<40x128xf32, #tpu.memory_space<vmem>>
    %dma_start3A_11 = arith.constant 40 : i32
    %dma_start3A_12 = tpu.memref_slice %arg6[%dma_start3A_11] : memref<10000xi32, #tpu.memory_space<vmem>> -> memref<40xi32, #tpu.memory_space<vmem>>
    %dma_start3A_13 = arith.constant 0 : i32
    %dma_start3A_14 = arith.constant 0 : i32
    %dma_start3A_15 = tpu.memref_slice %arg2[%dma_start3A_13, %dma_start3A_14] : memref<10000x128xf32, #tpu.memory_space<hbm>> -> memref<10000x128xf32, #tpu.memory_space<hbm>>
    tpu.enqueue_indirect_dma source(%dma_start3A_15 : memref<10000x128xf32, #tpu.memory_space<hbm>>) target(%dma_start3A_10 : memref<40x128xf32, #tpu.memory_space<vmem>>) offsets(%dma_start3A_12 : memref<40xi32, #tpu.memory_space<vmem>>) semaphore(%arg12 : memref<!tpu.dma_semaphore, #tpu.memory_space<semaphore_mem>>)
    %scan3A = arith.constant 0 : i32
    %scan3A_16 = arith.constant 0 : i32
    %scan3A_17 = arith.constant 80 : i32
    %scan3A_18 = arith.addi %scan3A_16, %scan3A_17 : i32
    %scan3A_19 = arith.constant 1 : i32
    scf.for %scan3A_61 = %scan3A_16 to %scan3A_18 step %scan3A_19  : i32 {
      %broadcast_in_dim3A = arith.constant 0.000000e+00 : f32
      %broadcast_in_dim3A_62 = vector.broadcast %broadcast_in_dim3A : f32 to vector<16xf32>
      %swap3A = arith.index_cast %scan3A_61 : i32 to index
      %swap3A_63 = arith.constant 0 : index
      %swap3A_64 = tpu.vector_load %arg9[%swap3A, %swap3A_63] {strides = array<i32>} : memref<80x128xf32, #tpu.memory_space<vmem>>, vector<1x16xf32>,
      %swap3A_65 = vector.shape_cast %swap3A_64 : vector<1x16xf32> to vector<16xf32>
      %swap3A_66 = vector.shape_cast %broadcast_in_dim3A_62 : vector<16xf32> to vector<1x16xf32>
      tpu.vector_store %arg9[%swap3A, %swap3A_63], %swap3A_66 {strides = array<i32>} : memref<80x128xf32, #tpu.memory_space<vmem>>, vector<1x16xf32>,
      %broadcast_in_dim3A_67 = arith.constant 0.000000e+00 : f32
      %broadcast_in_dim3A_68 = vector.broadcast %broadcast_in_dim3A_67 : f32 to vector<16xf32>
      %swap3A_69 = arith.index_cast %scan3A_61 : i32 to index
      %swap3A_70 = arith.constant 16 : index
      %swap3A_71 = tpu.vector_load %arg9[%swap3A_69, %swap3A_70] {strides = array<i32>} : memref<80x128xf32, #tpu.memory_space<vmem>>, vector<1x16xf32>,
      %swap3A_72 = vector.shape_cast %swap3A_71 : vector<1x16xf32> to vector<16xf32>
      %swap3A_73 = vector.shape_cast %broadcast_in_dim3A_68 : vector<16xf32> to vector<1x16xf32>
      tpu.vector_store %arg9[%swap3A_69, %swap3A_70], %swap3A_73 {strides = array<i32>} : memref<80x128xf32, #tpu.memory_space<vmem>>, vector<1x16xf32>,
      %broadcast_in_dim3A_74 = arith.constant 0.000000e+00 : f32
      %broadcast_in_dim3A_75 = vector.broadcast %broadcast_in_dim3A_74 : f32 to vector<16xf32>
      %swap3A_76 = arith.index_cast %scan3A_61 : i32 to index
      %swap3A_77 = arith.constant 32 : index
      %swap3A_78 = tpu.vector_load %arg9[%swap3A_76, %swap3A_77] {strides = array<i32>} : memref<80x128xf32, #tpu.memory_space<vmem>>, vector<1x16xf32>,
      %swap3A_79 = vector.shape_cast %swap3A_78 : vector<1x16xf32> to vector<16xf32>
      %swap3A_80 = vector.shape_cast %broadcast_in_dim3A_75 : vector<16xf32> to vector<1x16xf32>
      tpu.vector_store %arg9[%swap3A_76, %swap3A_77], %swap3A_80 {strides = array<i32>} : memref<80x128xf32, #tpu.memory_space<vmem>>, vector<1x16xf32>,
      %broadcast_in_dim3A_81 = arith.constant 0.000000e+00 : f32
      %broadcast_in_dim3A_82 = vector.broadcast %broadcast_in_dim3A_81 : f32 to vector<16xf32>
      %swap3A_83 = arith.index_cast %scan3A_61 : i32 to index
      %swap3A_84 = arith.constant 48 : index
      %swap3A_85 = tpu.vector_load %arg9[%swap3A_83, %swap3A_84] {strides = array<i32>} : memref<80x128xf32, #tpu.memory_space<vmem>>, vector<1x16xf32>,
      %swap3A_86 = vector.shape_cast %swap3A_85 : vector<1x16xf32> to vector<16xf32>
      %swap3A_87 = vector.shape_cast %broadcast_in_dim3A_82 : vector<16xf32> to vector<1x16xf32>
      tpu.vector_store %arg9[%swap3A_83, %swap3A_84], %swap3A_87 {strides = array<i32>} : memref<80x128xf32, #tpu.memory_space<vmem>>, vector<1x16xf32>,
      %broadcast_in_dim3A_88 = arith.constant 0.000000e+00 : f32
      %broadcast_in_dim3A_89 = vector.broadcast %broadcast_in_dim3A_88 : f32 to vector<16xf32>
      %swap3A_90 = arith.index_cast %scan3A_61 : i32 to index
      %swap3A_91 = arith.constant 64 : index
      %swap3A_92 = tpu.vector_load %arg9[%swap3A_90, %swap3A_91] {strides = array<i32>} : memref<80x128xf32, #tpu.memory_space<vmem>>, vector<1x16xf32>,
      %swap3A_93 = vector.shape_cast %swap3A_92 : vector<1x16xf32> to vector<16xf32>
      %swap3A_94 = vector.shape_cast %broadcast_in_dim3A_89 : vector<16xf32> to vector<1x16xf32>
      tpu.vector_store %arg9[%swap3A_90, %swap3A_91], %swap3A_94 {strides = array<i32>} : memref<80x128xf32, #tpu.memory_space<vmem>>, vector<1x16xf32>,
      %broadcast_in_dim3A_95 = arith.constant 0.000000e+00 : f32
      %broadcast_in_dim3A_96 = vector.broadcast %broadcast_in_dim3A_95 : f32 to vector<16xf32>
      %swap3A_97 = arith.index_cast %scan3A_61 : i32 to index
      %swap3A_98 = arith.constant 80 : index
      %swap3A_99 = tpu.vector_load %arg9[%swap3A_97, %swap3A_98] {strides = array<i32>} : memref<80x128xf32, #tpu.memory_space<vmem>>, vector<1x16xf32>,
      %swap3A_100 = vector.shape_cast %swap3A_99 : vector<1x16xf32> to vector<16xf32>
      %swap3A_101 = vector.shape_cast %broadcast_in_dim3A_96 : vector<16xf32> to vector<1x16xf32>
      tpu.vector_store %arg9[%swap3A_97, %swap3A_98], %swap3A_101 {strides = array<i32>} : memref<80x128xf32, #tpu.memory_space<vmem>>, vector<1x16xf32>,
      %broadcast_in_dim3A_102 = arith.constant 0.000000e+00 : f32
      %broadcast_in_dim3A_103 = vector.broadcast %broadcast_in_dim3A_102 : f32 to vector<16xf32>
      %swap3A_104 = arith.index_cast %scan3A_61 : i32 to index
      %swap3A_105 = arith.constant 96 : index
      %swap3A_106 = tpu.vector_load %arg9[%swap3A_104, %swap3A_105] {strides = array<i32>} : memref<80x128xf32, #tpu.memory_space<vmem>>, vector<1x16xf32>,
      %swap3A_107 = vector.shape_cast %swap3A_106 : vector<1x16xf32> to vector<16xf32>
      %swap3A_108 = vector.shape_cast %broadcast_in_dim3A_103 : vector<16xf32> to vector<1x16xf32>
      tpu.vector_store %arg9[%swap3A_104, %swap3A_105], %swap3A_108 {strides = array<i32>} : memref<80x128xf32, #tpu.memory_space<vmem>>, vector<1x16xf32>,
      %broadcast_in_dim3A_109 = arith.constant 0.000000e+00 : f32
      %broadcast_in_dim3A_110 = vector.broadcast %broadcast_in_dim3A_109 : f32 to vector<16xf32>
      %swap3A_111 = arith.index_cast %scan3A_61 : i32 to index
      %swap3A_112 = arith.constant 112 : index
      %swap3A_113 = tpu.vector_load %arg9[%swap3A_111, %swap3A_112] {strides = array<i32>} : memref<80x128xf32, #tpu.memory_space<vmem>>, vector<1x16xf32>,
      %swap3A_114 = vector.shape_cast %swap3A_113 : vector<1x16xf32> to vector<16xf32>
      %swap3A_115 = vector.shape_cast %broadcast_in_dim3A_110 : vector<16xf32> to vector<1x16xf32>
      tpu.vector_store %arg9[%swap3A_111, %swap3A_112], %swap3A_115 {strides = array<i32>} : memref<80x128xf32, #tpu.memory_space<vmem>>, vector<1x16xf32>,
    }
    %scan3A_20 = arith.constant 80 : i32
    %mul3A_21 = arith.constant 632 : i32
    %mul3A_22 = arith.muli %arg1, %mul3A_21 : i32
    %add3A_23 = arith.constant 0 : i32
    %add3A_24 = arith.addi %mul3A_22, %add3A_23 : i32
    "tpu.region"() ({
      %run_scoped3A_61 = tpu.sem_alloc : memref<!tpu.dma_semaphore, #tpu.memory_space<semaphore_mem>>
      %dma_start3A_62 = arith.constant 0 : i32
      %dma_start3A_63 = tpu.memref_slice %arg10[%add3A_24, %dma_start3A_62] : memref<10112x128xf32, #tpu.memory_space<vmem_shared>> -> memref<80x128xf32, #tpu.memory_space<vmem_shared>>
      %dma_start3A_64 = arith.constant 0 : i32
      %dma_start3A_65 = tpu.memref_slice %arg10[%add3A_24, %dma_start3A_64] : memref<10112x128xf32, #tpu.memory_space<vmem_shared>> -> memref<80x128xf32, #tpu.memory_space<vmem_shared>>
      tpu.enqueue_dma source(%arg9 : memref<80x128xf32, #tpu.memory_space<vmem>>) target(%dma_start3A_65 : memref<80x128xf32, #tpu.memory_space<vmem_shared>>) target_semaphore(%run_scoped3A_61 : memref<!tpu.dma_semaphore, #tpu.memory_space<semaphore_mem>>)
      %dma_wait3A_66 = arith.constant 0 : i32
      %dma_wait3A_67 = tpu.memref_slice %arg10[%add3A_24, %dma_wait3A_66] : memref<10112x128xf32, #tpu.memory_space<vmem_shared>> -> memref<80x128xf32, #tpu.memory_space<vmem_shared>>
      %dma_wait3A_68 = arith.constant 0 : i32
      %dma_wait3A_69 = tpu.memref_slice %arg10[%add3A_24, %dma_wait3A_68] : memref<10112x128xf32, #tpu.memory_space<vmem_shared>> -> memref<80x128xf32, #tpu.memory_space<vmem_shared>>
      tpu.wait_dma2 semaphore(%run_scoped3A_61 : memref<!tpu.dma_semaphore, #tpu.memory_space<semaphore_mem>>) src(%arg9 : memref<80x128xf32, #tpu.memory_space<vmem>>) dst(%dma_wait3A_69 : memref<80x128xf32, #tpu.memory_space<vmem_shared>>)
      tpu.yield
    }) : () -> ()
    %add3A_25 = arith.constant 80 : i32
    %add3A_26 = arith.addi %mul3A_22, %add3A_25 : i32
    "tpu.region"() ({
      %run_scoped3A_61 = tpu.sem_alloc : memref<!tpu.dma_semaphore, #tpu.memory_space<semaphore_mem>>
      %dma_start3A_62 = arith.constant 0 : i32
      %dma_start3A_63 = tpu.memref_slice %arg10[%add3A_26, %dma_start3A_62] : memref<10112x128xf32, #tpu.memory_space<vmem_shared>> -> memref<80x128xf32, #tpu.memory_space<vmem_shared>>
      %dma_start3A_64 = arith.constant 0 : i32
      %dma_start3A_65 = tpu.memref_slice %arg10[%add3A_26, %dma_start3A_64] : memref<10112x128xf32, #tpu.memory_space<vmem_shared>> -> memref<80x128xf32, #tpu.memory_space<vmem_shared>>
      tpu.enqueue_dma source(%arg9 : memref<80x128xf32, #tpu.memory_space<vmem>>) target(%dma_start3A_65 : memref<80x128xf32, #tpu.memory_space<vmem_shared>>) target_semaphore(%run_scoped3A_61 : memref<!tpu.dma_semaphore, #tpu.memory_space<semaphore_mem>>)
      %dma_wait3A_66 = arith.constant 0 : i32
      %dma_wait3A_67 = tpu.memref_slice %arg10[%add3A_26, %dma_wait3A_66] : memref<10112x128xf32, #tpu.memory_space<vmem_shared>> -> memref<80x128xf32, #tpu.memory_space<vmem_shared>>
      %dma_wait3A_68 = arith.constant 0 : i32
      %dma_wait3A_69 = tpu.memref_slice %arg10[%add3A_26, %dma_wait3A_68] : memref<10112x128xf32, #tpu.memory_space<vmem_shared>> -> memref<80x128xf32, #tpu.memory_space<vmem_shared>>
      tpu.wait_dma2 semaphore(%run_scoped3A_61 : memref<!tpu.dma_semaphore, #tpu.memory_space<semaphore_mem>>) src(%arg9 : memref<80x128xf32, #tpu.memory_space<vmem>>) dst(%dma_wait3A_69 : memref<80x128xf32, #tpu.memory_space<vmem_shared>>)
      tpu.yield
    }) : () -> ()
    %add3A_27 = arith.constant 160 : i32
    %add3A_28 = arith.addi %mul3A_22, %add3A_27 : i32
    "tpu.region"() ({
      %run_scoped3A_61 = tpu.sem_alloc : memref<!tpu.dma_semaphore, #tpu.memory_space<semaphore_mem>>
      %dma_start3A_62 = arith.constant 0 : i32
      %dma_start3A_63 = tpu.memref_slice %arg10[%add3A_28, %dma_start3A_62] : memref<10112x128xf32, #tpu.memory_space<vmem_shared>> -> memref<80x128xf32, #tpu.memory_space<vmem_shared>>
      %dma_start3A_64 = arith.constant 0 : i32
      %dma_start3A_65 = tpu.memref_slice %arg10[%add3A_28, %dma_start3A_64] : memref<10112x128xf32, #tpu.memory_space<vmem_shared>> -> memref<80x128xf32, #tpu.memory_space<vmem_shared>>
      tpu.enqueue_dma source(%arg9 : memref<80x128xf32, #tpu.memory_space<vmem>>) target(%dma_start3A_65 : memref<80x128xf32, #tpu.memory_space<vmem_shared>>) target_semaphore(%run_scoped3A_61 : memref<!tpu.dma_semaphore, #tpu.memory_space<semaphore_mem>>)
      %dma_wait3A_66 = arith.constant 0 : i32
      %dma_wait3A_67 = tpu.memref_slice %arg10[%add3A_28, %dma_wait3A_66] : memref<10112x128xf32, #tpu.memory_space<vmem_shared>> -> memref<80x128xf32, #tpu.memory_space<vmem_shared>>
      %dma_wait3A_68 = arith.constant 0 : i32
      %dma_wait3A_69 = tpu.memref_slice %arg10[%add3A_28, %dma_wait3A_68] : memref<10112x128xf32, #tpu.memory_space<vmem_shared>> -> memref<80x128xf32, #tpu.memory_space<vmem_shared>>
      tpu.wait_dma2 semaphore(%run_scoped3A_61 : memref<!tpu.dma_semaphore, #tpu.memory_space<semaphore_mem>>) src(%arg9 : memref<80x128xf32, #tpu.memory_space<vmem>>) dst(%dma_wait3A_69 : memref<80x128xf32, #tpu.memory_space<vmem_shared>>)
      tpu.yield
    }) : () -> ()
    %add3A_29 = arith.constant 240 : i32
    %add3A_30 = arith.addi %mul3A_22, %add3A_29 : i32
    "tpu.region"() ({
      %run_scoped3A_61 = tpu.sem_alloc : memref<!tpu.dma_semaphore, #tpu.memory_space<semaphore_mem>>
      %dma_start3A_62 = arith.constant 0 : i32
      %dma_start3A_63 = tpu.memref_slice %arg10[%add3A_30, %dma_start3A_62] : memref<10112x128xf32, #tpu.memory_space<vmem_shared>> -> memref<80x128xf32, #tpu.memory_space<vmem_shared>>
      %dma_start3A_64 = arith.constant 0 : i32
      %dma_start3A_65 = tpu.memref_slice %arg10[%add3A_30, %dma_start3A_64] : memref<10112x128xf32, #tpu.memory_space<vmem_shared>> -> memref<80x128xf32, #tpu.memory_space<vmem_shared>>
      tpu.enqueue_dma source(%arg9 : memref<80x128xf32, #tpu.memory_space<vmem>>) target(%dma_start3A_65 : memref<80x128xf32, #tpu.memory_space<vmem_shared>>) target_semaphore(%run_scoped3A_61 : memref<!tpu.dma_semaphore, #tpu.memory_space<semaphore_mem>>)
      %dma_wait3A_66 = arith.constant 0 : i32
      %dma_wait3A_67 = tpu.memref_slice %arg10[%add3A_30, %dma_wait3A_66] : memref<10112x128xf32, #tpu.memory_space<vmem_shared>> -> memref<80x128xf32, #tpu.memory_space<vmem_shared>>
      %dma_wait3A_68 = arith.constant 0 : i32
      %dma_wait3A_69 = tpu.memref_slice %arg10[%add3A_30, %dma_wait3A_68] : memref<10112x128xf32, #tpu.memory_space<vmem_shared>> -> memref<80x128xf32, #tpu.memory_space<vmem_shared>>
      tpu.wait_dma2 semaphore(%run_scoped3A_61 : memref<!tpu.dma_semaphore, #tpu.memory_space<semaphore_mem>>) src(%arg9 : memref<80x128xf32, #tpu.memory_space<vmem>>) dst(%dma_wait3A_69 : memref<80x128xf32, #tpu.memory_space<vmem_shared>>)
      tpu.yield
    }) : () -> ()
    %add3A_31 = arith.constant 320 : i32
    %add3A_32 = arith.addi %mul3A_22, %add3A_31 : i32
    "tpu.region"() ({
      %run_scoped3A_61 = tpu.sem_alloc : memref<!tpu.dma_semaphore, #tpu.memory_space<semaphore_mem>>
      %dma_start3A_62 = arith.constant 0 : i32
      %dma_start3A_63 = tpu.memref_slice %arg10[%add3A_32, %dma_start3A_62] : memref<10112x128xf32, #tpu.memory_space<vmem_shared>> -> memref<80x128xf32, #tpu.memory_space<vmem_shared>>
      %dma_start3A_64 = arith.constant 0 : i32
      %dma_start3A_65 = tpu.memref_slice %arg10[%add3A_32, %dma_start3A_64] : memref<10112x128xf32, #tpu.memory_space<vmem_shared>> -> memref<80x128xf32, #tpu.memory_space<vmem_shared>>
      tpu.enqueue_dma source(%arg9 : memref<80x128xf32, #tpu.memory_space<vmem>>) target(%dma_start3A_65 : memref<80x128xf32, #tpu.memory_space<vmem_shared>>) target_semaphore(%run_scoped3A_61 : memref<!tpu.dma_semaphore, #tpu.memory_space<semaphore_mem>>)
      %dma_wait3A_66 = arith.constant 0 : i32
      %dma_wait3A_67 = tpu.memref_slice %arg10[%add3A_32, %dma_wait3A_66] : memref<10112x128xf32, #tpu.memory_space<vmem_shared>> -> memref<80x128xf32, #tpu.memory_space<vmem_shared>>
      %dma_wait3A_68 = arith.constant 0 : i32
      %dma_wait3A_69 = tpu.memref_slice %arg10[%add3A_32, %dma_wait3A_68] : memref<10112x128xf32, #tpu.memory_space<vmem_shared>> -> memref<80x128xf32, #tpu.memory_space<vmem_shared>>
      tpu.wait_dma2 semaphore(%run_scoped3A_61 : memref<!tpu.dma_semaphore, #tpu.memory_space<semaphore_mem>>) src(%arg9 : memref<80x128xf32, #tpu.memory_space<vmem>>) dst(%dma_wait3A_69 : memref<80x128xf32, #tpu.memory_space<vmem_shared>>)
      tpu.yield
    }) : () -> ()
    %add3A_33 = arith.constant 400 : i32
    %add3A_34 = arith.addi %mul3A_22, %add3A_33 : i32
    "tpu.region"() ({
      %run_scoped3A_61 = tpu.sem_alloc : memref<!tpu.dma_semaphore, #tpu.memory_space<semaphore_mem>>
      %dma_start3A_62 = arith.constant 0 : i32
      %dma_start3A_63 = tpu.memref_slice %arg10[%add3A_34, %dma_start3A_62] : memref<10112x128xf32, #tpu.memory_space<vmem_shared>> -> memref<80x128xf32, #tpu.memory_space<vmem_shared>>
      %dma_start3A_64 = arith.constant 0 : i32
      %dma_start3A_65 = tpu.memref_slice %arg10[%add3A_34, %dma_start3A_64] : memref<10112x128xf32, #tpu.memory_space<vmem_shared>> -> memref<80x128xf32, #tpu.memory_space<vmem_shared>>
      tpu.enqueue_dma source(%arg9 : memref<80x128xf32, #tpu.memory_space<vmem>>) target(%dma_start3A_65 : memref<80x128xf32, #tpu.memory_space<vmem_shared>>) target_semaphore(%run_scoped3A_61 : memref<!tpu.dma_semaphore, #tpu.memory_space<semaphore_mem>>)
      %dma_wait3A_66 = arith.constant 0 : i32
      %dma_wait3A_67 = tpu.memref_slice %arg10[%add3A_34, %dma_wait3A_66] : memref<10112x128xf32, #tpu.memory_space<vmem_shared>> -> memref<80x128xf32, #tpu.memory_space<vmem_shared>>
      %dma_wait3A_68 = arith.constant 0 : i32
      %dma_wait3A_69 = tpu.memref_slice %arg10[%add3A_34, %dma_wait3A_68] : memref<10112x128xf32, #tpu.memory_space<vmem_shared>> -> memref<80x128xf32, #tpu.memory_space<vmem_shared>>
      tpu.wait_dma2 semaphore(%run_scoped3A_61 : memref<!tpu.dma_semaphore, #tpu.memory_space<semaphore_mem>>) src(%arg9 : memref<80x128xf32, #tpu.memory_space<vmem>>) dst(%dma_wait3A_69 : memref<80x128xf32, #tpu.memory_space<vmem_shared>>)
      tpu.yield
    }) : () -> ()
    %add3A_35 = arith.constant 480 : i32
    %add3A_36 = arith.addi %mul3A_22, %add3A_35 : i32
    "tpu.region"() ({
      %run_scoped3A_61 = tpu.sem_alloc : memref<!tpu.dma_semaphore, #tpu.memory_space<semaphore_mem>>
      %dma_start3A_62 = arith.constant 0 : i32
      %dma_start3A_63 = tpu.memref_slice %arg10[%add3A_36, %dma_start3A_62] : memref<10112x128xf32, #tpu.memory_space<vmem_shared>> -> memref<80x128xf32, #tpu.memory_space<vmem_shared>>
      %dma_start3A_64 = arith.constant 0 : i32
      %dma_start3A_65 = tpu.memref_slice %arg10[%add3A_36, %dma_start3A_64] : memref<10112x128xf32, #tpu.memory_space<vmem_shared>> -> memref<80x128xf32, #tpu.memory_space<vmem_shared>>
      tpu.enqueue_dma source(%arg9 : memref<80x128xf32, #tpu.memory_space<vmem>>) target(%dma_start3A_65 : memref<80x128xf32, #tpu.memory_space<vmem_shared>>) target_semaphore(%run_scoped3A_61 : memref<!tpu.dma_semaphore, #tpu.memory_space<semaphore_mem>>)
      %dma_wait3A_66 = arith.constant 0 : i32
      %dma_wait3A_67 = tpu.memref_slice %arg10[%add3A_36, %dma_wait3A_66] : memref<10112x128xf32, #tpu.memory_space<vmem_shared>> -> memref<80x128xf32, #tpu.memory_space<vmem_shared>>
      %dma_wait3A_68 = arith.constant 0 : i32
      %dma_wait3A_69 = tpu.memref_slice %arg10[%add3A_36, %dma_wait3A_68] : memref<10112x128xf32, #tpu.memory_space<vmem_shared>> -> memref<80x128xf32, #tpu.memory_space<vmem_shared>>
      tpu.wait_dma2 semaphore(%run_scoped3A_61 : memref<!tpu.dma_semaphore, #tpu.memory_space<semaphore_mem>>) src(%arg9 : memref<80x128xf32, #tpu.memory_space<vmem>>) dst(%dma_wait3A_69 : memref<80x128xf32, #tpu.memory_space<vmem_shared>>)
      tpu.yield
    }) : () -> ()
    %add3A_37 = arith.constant 560 : i32
    %add3A_38 = arith.addi %mul3A_22, %add3A_37 : i32
    "tpu.region"() ({
      %run_scoped3A_61 = tpu.sem_alloc : memref<!tpu.dma_semaphore, #tpu.memory_space<semaphore_mem>>
      %dma_start3A_62 = arith.constant 0 : i32
      %dma_start3A_63 = arith.constant 0 : i32
      %dma_start3A_64 = tpu.memref_slice %arg9[%dma_start3A_62, %dma_start3A_63] : memref<80x128xf32, #tpu.memory_space<vmem>> -> memref<72x128xf32, #tpu.memory_space<vmem>>
      %dma_start3A_65 = arith.constant 0 : i32
      %dma_start3A_66 = tpu.memref_slice %arg10[%add3A_38, %dma_start3A_65] : memref<10112x128xf32, #tpu.memory_space<vmem_shared>> -> memref<72x128xf32, #tpu.memory_space<vmem_shared>>
      %dma_start3A_67 = arith.constant 0 : i32
      %dma_start3A_68 = tpu.memref_slice %arg10[%add3A_38, %dma_start3A_67] : memref<10112x128xf32, #tpu.memory_space<vmem_shared>> -> memref<72x128xf32, #tpu.memory_space<vmem_shared>>
      %dma_start3A_69 = arith.constant 0 : i32
      %dma_start3A_70 = arith.constant 0 : i32
      %dma_start3A_71 = tpu.memref_slice %arg9[%dma_start3A_69, %dma_start3A_70] : memref<80x128xf32, #tpu.memory_space<vmem>> -> memref<72x128xf32, #tpu.memory_space<vmem>>
      tpu.enqueue_dma source(%dma_start3A_71 : memref<72x128xf32, #tpu.memory_space<vmem>>) target(%dma_start3A_68 : memref<72x128xf32, #tpu.memory_space<vmem_shared>>) target_semaphore(%run_scoped3A_61 : memref<!tpu.dma_semaphore, #tpu.memory_space<semaphore_mem>>)
      %dma_wait3A_72 = arith.constant 0 : i32
      %dma_wait3A_73 = arith.constant 0 : i32
      %dma_wait3A_74 = tpu.memref_slice %arg9[%dma_wait3A_72, %dma_wait3A_73] : memref<80x128xf32, #tpu.memory_space<vmem>> -> memref<72x128xf32, #tpu.memory_space<vmem>>
      %dma_wait3A_75 = arith.constant 0 : i32
      %dma_wait3A_76 = tpu.memref_slice %arg10[%add3A_38, %dma_wait3A_75] : memref<10112x128xf32, #tpu.memory_space<vmem_shared>> -> memref<72x128xf32, #tpu.memory_space<vmem_shared>>
      %dma_wait3A_77 = arith.constant 0 : i32
      %dma_wait3A_78 = tpu.memref_slice %arg10[%add3A_38, %dma_wait3A_77] : memref<10112x128xf32, #tpu.memory_space<vmem_shared>> -> memref<72x128xf32, #tpu.memory_space<vmem_shared>>
      %dma_wait3A_79 = arith.constant 0 : i32
      %dma_wait3A_80 = arith.constant 0 : i32
      %dma_wait3A_81 = tpu.memref_slice %arg9[%dma_wait3A_79, %dma_wait3A_80] : memref<80x128xf32, #tpu.memory_space<vmem>> -> memref<72x128xf32, #tpu.memory_space<vmem>>
      tpu.wait_dma2 semaphore(%run_scoped3A_61 : memref<!tpu.dma_semaphore, #tpu.memory_space<semaphore_mem>>) src(%dma_wait3A_81 : memref<72x128xf32, #tpu.memory_space<vmem>>) dst(%dma_wait3A_78 : memref<72x128xf32, #tpu.memory_space<vmem_shared>>)
      tpu.yield
    }) : () -> ()
    %barrier3A = arith.constant 0 : index
    tpu.barrier barrier_id(%barrier3A)
    %scan3A_39 = arith.constant 0 : i32
    %scan3A_40 = arith.constant 0 : i32
    %scan3A_41 = arith.constant 62 : i32
    %scan3A_42 = arith.addi %scan3A_40, %scan3A_41 : i32
    %scan3A_43 = arith.constant 1 : i32
    scf.for %scan3A_61 = %scan3A_40 to %scan3A_42 step %scan3A_43  : i32 {
      %mul3A_62 = arith.constant 2 : i32
      %mul3A_63 = arith.muli %mul3A_62, %scan3A_61 : i32
      %add3A_64 = arith.constant 1 : i32
      %add3A_65 = arith.addi %mul3A_63, %add3A_64 : i32
      %mul3A_66 = arith.constant 80 : i32
      %mul3A_67 = arith.muli %add3A_65, %mul3A_66 : i32
      %add3A_68 = arith.constant 0 : i32
      %add3A_69 = arith.addi %mul3A_67, %add3A_68 : i32
      %dma_start3A_70 = arith.constant 0 : i32
      %dma_start3A_71 = arith.constant 0 : i32
      %dma_start3A_72 = tpu.memref_slice %arg9[%dma_start3A_70, %dma_start3A_71] : memref<80x128xf32, #tpu.memory_space<vmem>> -> memref<40x128xf32, #tpu.memory_space<vmem>>
      %dma_start3A_73 = tpu.memref_slice %arg6[%add3A_69] : memref<10000xi32, #tpu.memory_space<vmem>> -> memref<40xi32, #tpu.memory_space<vmem>>
      %dma_start3A_74 = arith.constant 0 : i32
      %dma_start3A_75 = arith.constant 0 : i32
      %dma_start3A_76 = tpu.memref_slice %arg2[%dma_start3A_74, %dma_start3A_75] : memref<10000x128xf32, #tpu.memory_space<hbm>> -> memref<10000x128xf32, #tpu.memory_space<hbm>>
      tpu.enqueue_indirect_dma source(%dma_start3A_76 : memref<10000x128xf32, #tpu.memory_space<hbm>>) target(%dma_start3A_72 : memref<40x128xf32, #tpu.memory_space<vmem>>) offsets(%dma_start3A_73 : memref<40xi32, #tpu.memory_space<vmem>>) semaphore(%arg13 : memref<!tpu.dma_semaphore, #tpu.memory_space<semaphore_mem>>)
      %mul3A_77 = arith.constant 80 : i32
      %mul3A_78 = arith.muli %add3A_65, %mul3A_77 : i32
      %add3A_79 = arith.constant 40 : i32
      %add3A_80 = arith.addi %mul3A_78, %add3A_79 : i32
      %dma_start3A_81 = arith.constant 40 : i32
      %dma_start3A_82 = arith.constant 0 : i32
      %dma_start3A_83 = tpu.memref_slice %arg9[%dma_start3A_81, %dma_start3A_82] : memref<80x128xf32, #tpu.memory_space<vmem>> -> memref<40x128xf32, #tpu.memory_space<vmem>>
      %dma_start3A_84 = tpu.memref_slice %arg6[%add3A_80] : memref<10000xi32, #tpu.memory_space<vmem>> -> memref<40xi32, #tpu.memory_space<vmem>>
      %dma_start3A_85 = arith.constant 0 : i32
      %dma_start3A_86 = arith.constant 0 : i32
      %dma_start3A_87 = tpu.memref_slice %arg2[%dma_start3A_85, %dma_start3A_86] : memref<10000x128xf32, #tpu.memory_space<hbm>> -> memref<10000x128xf32, #tpu.memory_space<hbm>>
      tpu.enqueue_indirect_dma source(%dma_start3A_87 : memref<10000x128xf32, #tpu.memory_space<hbm>>) target(%dma_start3A_83 : memref<40x128xf32, #tpu.memory_space<vmem>>) offsets(%dma_start3A_84 : memref<40xi32, #tpu.memory_space<vmem>>) semaphore(%arg14 : memref<!tpu.dma_semaphore, #tpu.memory_space<semaphore_mem>>)
      %mul3A_88 = arith.constant 80 : i32
      %mul3A_89 = arith.muli %mul3A_63, %mul3A_88 : i32
      %add3A_90 = arith.constant 0 : i32
      %add3A_91 = arith.addi %mul3A_89, %add3A_90 : i32
      %dma_wait3A_92 = arith.constant 0 : i32
      %dma_wait3A_93 = arith.constant 0 : i32
      %dma_wait3A_94 = tpu.memref_slice %arg8[%dma_wait3A_92, %dma_wait3A_93] : memref<80x128xf32, #tpu.memory_space<vmem>> -> memref<40x128xf32, #tpu.memory_space<vmem>>
      %dma_wait3A_95 = tpu.memref_slice %arg6[%add3A_91] : memref<10000xi32, #tpu.memory_space<vmem>> -> memref<40xi32, #tpu.memory_space<vmem>>
      %dma_wait3A_96 = arith.constant 0 : i32
      %dma_wait3A_97 = arith.constant 0 : i32
      %dma_wait3A_98 = tpu.memref_slice %arg2[%dma_wait3A_96, %dma_wait3A_97] : memref<10000x128xf32, #tpu.memory_space<hbm>> -> memref<10000x128xf32, #tpu.memory_space<hbm>>
      tpu.wait_indirect_dma semaphore(%arg11 : memref<!tpu.dma_semaphore, #tpu.memory_space<semaphore_mem>>) src(%dma_wait3A_98 : memref<10000x128xf32, #tpu.memory_space<hbm>>) dst(%dma_wait3A_94 : memref<40x128xf32, #tpu.memory_space<vmem>>)
      %mul3A_99 = arith.constant 80 : i32
      %mul3A_100 = arith.muli %mul3A_63, %mul3A_99 : i32
      %add3A_101 = arith.constant 40 : i32
      %add3A_102 = arith.addi %mul3A_100, %add3A_101 : i32
      %dma_wait3A_103 = arith.constant 40 : i32
      %dma_wait3A_104 = arith.constant 0 : i32
      %dma_wait3A_105 = tpu.memref_slice %arg8[%dma_wait3A_103, %dma_wait3A_104] : memref<80x128xf32, #tpu.memory_space<vmem>> -> memref<40x128xf32, #tpu.memory_space<vmem>>
      %dma_wait3A_106 = tpu.memref_slice %arg6[%add3A_102] : memref<10000xi32, #tpu.memory_space<vmem>> -> memref<40xi32, #tpu.memory_space<vmem>>
      %dma_wait3A_107 = arith.constant 0 : i32
      %dma_wait3A_108 = arith.constant 0 : i32
      %dma_wait3A_109 = tpu.memref_slice %arg2[%dma_wait3A_107, %dma_wait3A_108] : memref<10000x128xf32, #tpu.memory_space<hbm>> -> memref<10000x128xf32, #tpu.memory_space<hbm>>
      tpu.wait_indirect_dma semaphore(%arg12 : memref<!tpu.dma_semaphore, #tpu.memory_space<semaphore_mem>>) src(%dma_wait3A_109 : memref<10000x128xf32, #tpu.memory_space<hbm>>) dst(%dma_wait3A_105 : memref<40x128xf32, #tpu.memory_space<vmem>>)
      "tpu.region"() ({
        %run_scoped3A_156 = tpu.sem_alloc : memref<!tpu.dma_semaphore, #tpu.memory_space<semaphore_mem>>
        %dma_start3A_157 = arith.constant 0 : i32
        %dma_start3A_158 = tpu.memref_slice %arg7[%mul3A_63, %dma_start3A_157] : memref<125x80xi32, #tpu.memory_space<vmem>> -> memref<1x80xi32, #tpu.memory_space<vmem>>
        %dma_start3A_159 = tpu.memref_squeeze %dma_start3A_158 : memref<1x80xi32, #tpu.memory_space<vmem>> -> memref<80xi32, #tpu.memory_space<vmem>>
        %dma_start3A_160 = arith.constant 0 : i32
        %dma_start3A_161 = arith.constant 0 : i32
        %dma_start3A_162 = tpu.memref_slice %arg10[%dma_start3A_160, %dma_start3A_161] : memref<10112x128xf32, #tpu.memory_space<vmem_shared>> -> memref<10112x128xf32, #tpu.memory_space<vmem_shared>>
        tpu.enqueue_indirect_dma source(%arg8 : memref<80x128xf32, #tpu.memory_space<vmem>>) target(%dma_start3A_162 : memref<10112x128xf32, #tpu.memory_space<vmem_shared>>) offsets(%dma_start3A_159 : memref<80xi32, #tpu.memory_space<vmem>>) semaphore(%run_scoped3A_156 : memref<!tpu.dma_semaphore, #tpu.memory_space<semaphore_mem>>) {add = true}
        %dma_wait3A_163 = arith.constant 0 : i32
        %dma_wait3A_164 = tpu.memref_slice %arg7[%mul3A_63, %dma_wait3A_163] : memref<125x80xi32, #tpu.memory_space<vmem>> -> memref<1x80xi32, #tpu.memory_space<vmem>>
        %dma_wait3A_165 = tpu.memref_squeeze %dma_wait3A_164 : memref<1x80xi32, #tpu.memory_space<vmem>> -> memref<80xi32, #tpu.memory_space<vmem>>
        %dma_wait3A_166 = arith.constant 0 : i32
        %dma_wait3A_167 = arith.constant 0 : i32
        %dma_wait3A_168 = tpu.memref_slice %arg10[%dma_wait3A_166, %dma_wait3A_167] : memref<10112x128xf32, #tpu.memory_space<vmem_shared>> -> memref<10112x128xf32, #tpu.memory_space<vmem_shared>>
        tpu.wait_indirect_dma semaphore(%run_scoped3A_156 : memref<!tpu.dma_semaphore, #tpu.memory_space<semaphore_mem>>) src(%arg8 : memref<80x128xf32, #tpu.memory_space<vmem>>) dst(%dma_wait3A_168 : memref<10112x128xf32, #tpu.memory_space<vmem_shared>>)
        tpu.yield
      }) : () -> ()
      %add3A_110 = arith.constant 2 : i32
      %add3A_111 = arith.addi %mul3A_63, %add3A_110 : i32
      %mul3A_112 = arith.constant 80 : i32
      %mul3A_113 = arith.muli %add3A_111, %mul3A_112 : i32
      %add3A_114 = arith.constant 0 : i32
      %add3A_115 = arith.addi %mul3A_113, %add3A_114 : i32
      %dma_start3A_116 = arith.constant 0 : i32
      %dma_start3A_117 = arith.constant 0 : i32
      %dma_start3A_118 = tpu.memref_slice %arg8[%dma_start3A_116, %dma_start3A_117] : memref<80x128xf32, #tpu.memory_space<vmem>> -> memref<40x128xf32, #tpu.memory_space<vmem>>
      %dma_start3A_119 = tpu.memref_slice %arg6[%add3A_115] : memref<10000xi32, #tpu.memory_space<vmem>> -> memref<40xi32, #tpu.memory_space<vmem>>
      %dma_start3A_120 = arith.constant 0 : i32
      %dma_start3A_121 = arith.constant 0 : i32
      %dma_start3A_122 = tpu.memref_slice %arg2[%dma_start3A_120, %dma_start3A_121] : memref<10000x128xf32, #tpu.memory_space<hbm>> -> memref<10000x128xf32, #tpu.memory_space<hbm>>
      tpu.enqueue_indirect_dma source(%dma_start3A_122 : memref<10000x128xf32, #tpu.memory_space<hbm>>) target(%dma_start3A_118 : memref<40x128xf32, #tpu.memory_space<vmem>>) offsets(%dma_start3A_119 : memref<40xi32, #tpu.memory_space<vmem>>) semaphore(%arg11 : memref<!tpu.dma_semaphore, #tpu.memory_space<semaphore_mem>>)
      %mul3A_123 = arith.constant 80 : i32
      %mul3A_124 = arith.muli %add3A_111, %mul3A_123 : i32
      %add3A_125 = arith.constant 40 : i32
      %add3A_126 = arith.addi %mul3A_124, %add3A_125 : i32
      %dma_start3A_127 = arith.constant 40 : i32
      %dma_start3A_128 = arith.constant 0 : i32
      %dma_start3A_129 = tpu.memref_slice %arg8[%dma_start3A_127, %dma_start3A_128] : memref<80x128xf32, #tpu.memory_space<vmem>> -> memref<40x128xf32, #tpu.memory_space<vmem>>
      %dma_start3A_130 = tpu.memref_slice %arg6[%add3A_126] : memref<10000xi32, #tpu.memory_space<vmem>> -> memref<40xi32, #tpu.memory_space<vmem>>
      %dma_start3A_131 = arith.constant 0 : i32
      %dma_start3A_132 = arith.constant 0 : i32
      %dma_start3A_133 = tpu.memref_slice %arg2[%dma_start3A_131, %dma_start3A_132] : memref<10000x128xf32, #tpu.memory_space<hbm>> -> memref<10000x128xf32, #tpu.memory_space<hbm>>
      tpu.enqueue_indirect_dma source(%dma_start3A_133 : memref<10000x128xf32, #tpu.memory_space<hbm>>) target(%dma_start3A_129 : memref<40x128xf32, #tpu.memory_space<vmem>>) offsets(%dma_start3A_130 : memref<40xi32, #tpu.memory_space<vmem>>) semaphore(%arg12 : memref<!tpu.dma_semaphore, #tpu.memory_space<semaphore_mem>>)
      %mul3A_134 = arith.constant 80 : i32
      %mul3A_135 = arith.muli %add3A_65, %mul3A_134 : i32
      %add3A_136 = arith.constant 0 : i32
      %add3A_137 = arith.addi %mul3A_135, %add3A_136 : i32
      %dma_wait3A_138 = arith.constant 0 : i32
      %dma_wait3A_139 = arith.constant 0 : i32
      %dma_wait3A_140 = tpu.memref_slice %arg9[%dma_wait3A_138, %dma_wait3A_139] : memref<80x128xf32, #tpu.memory_space<vmem>> -> memref<40x128xf32, #tpu.memory_space<vmem>>
      %dma_wait3A_141 = tpu.memref_slice %arg6[%add3A_137] : memref<10000xi32, #tpu.memory_space<vmem>> -> memref<40xi32, #tpu.memory_space<vmem>>
      %dma_wait3A_142 = arith.constant 0 : i32
      %dma_wait3A_143 = arith.constant 0 : i32
      %dma_wait3A_144 = tpu.memref_slice %arg2[%dma_wait3A_142, %dma_wait3A_143] : memref<10000x128xf32, #tpu.memory_space<hbm>> -> memref<10000x128xf32, #tpu.memory_space<hbm>>
      tpu.wait_indirect_dma semaphore(%arg13 : memref<!tpu.dma_semaphore, #tpu.memory_space<semaphore_mem>>) src(%dma_wait3A_144 : memref<10000x128xf32, #tpu.memory_space<hbm>>) dst(%dma_wait3A_140 : memref<40x128xf32, #tpu.memory_space<vmem>>)
      %mul3A_145 = arith.constant 80 : i32
      %mul3A_146 = arith.muli %add3A_65, %mul3A_145 : i32
      %add3A_147 = arith.constant 40 : i32
      %add3A_148 = arith.addi %mul3A_146, %add3A_147 : i32
      %dma_wait3A_149 = arith.constant 40 : i32
      %dma_wait3A_150 = arith.constant 0 : i32
      %dma_wait3A_151 = tpu.memref_slice %arg9[%dma_wait3A_149, %dma_wait3A_150] : memref<80x128xf32, #tpu.memory_space<vmem>> -> memref<40x128xf32, #tpu.memory_space<vmem>>
      %dma_wait3A_152 = tpu.memref_slice %arg6[%add3A_148] : memref<10000xi32, #tpu.memory_space<vmem>> -> memref<40xi32, #tpu.memory_space<vmem>>
      %dma_wait3A_153 = arith.constant 0 : i32
      %dma_wait3A_154 = arith.constant 0 : i32
      %dma_wait3A_155 = tpu.memref_slice %arg2[%dma_wait3A_153, %dma_wait3A_154] : memref<10000x128xf32, #tpu.memory_space<hbm>> -> memref<10000x128xf32, #tpu.memory_space<hbm>>
      tpu.wait_indirect_dma semaphore(%arg14 : memref<!tpu.dma_semaphore, #tpu.memory_space<semaphore_mem>>) src(%dma_wait3A_155 : memref<10000x128xf32, #tpu.memory_space<hbm>>) dst(%dma_wait3A_151 : memref<40x128xf32, #tpu.memory_space<vmem>>)
      "tpu.region"() ({
        %run_scoped3A_156 = tpu.sem_alloc : memref<!tpu.dma_semaphore, #tpu.memory_space<semaphore_mem>>
        %dma_start3A_157 = arith.constant 0 : i32
        %dma_start3A_158 = tpu.memref_slice %arg7[%add3A_65, %dma_start3A_157] : memref<125x80xi32, #tpu.memory_space<vmem>> -> memref<1x80xi32, #tpu.memory_space<vmem>>
        %dma_start3A_159 = tpu.memref_squeeze %dma_start3A_158 : memref<1x80xi32, #tpu.memory_space<vmem>> -> memref<80xi32, #tpu.memory_space<vmem>>
        %dma_start3A_160 = arith.constant 0 : i32
        %dma_start3A_161 = arith.constant 0 : i32
        %dma_start3A_162 = tpu.memref_slice %arg10[%dma_start3A_160, %dma_start3A_161] : memref<10112x128xf32, #tpu.memory_space<vmem_shared>> -> memref<10112x128xf32, #tpu.memory_space<vmem_shared>>
        tpu.enqueue_indirect_dma source(%arg9 : memref<80x128xf32, #tpu.memory_space<vmem>>) target(%dma_start3A_162 : memref<10112x128xf32, #tpu.memory_space<vmem_shared>>) offsets(%dma_start3A_159 : memref<80xi32, #tpu.memory_space<vmem>>) semaphore(%run_scoped3A_156 : memref<!tpu.dma_semaphore, #tpu.memory_space<semaphore_mem>>) {add = true}
        %dma_wait3A_163 = arith.constant 0 : i32
        %dma_wait3A_164 = tpu.memref_slice %arg7[%add3A_65, %dma_wait3A_163] : memref<125x80xi32, #tpu.memory_space<vmem>> -> memref<1x80xi32, #tpu.memory_space<vmem>>
        %dma_wait3A_165 = tpu.memref_squeeze %dma_wait3A_164 : memref<1x80xi32, #tpu.memory_space<vmem>> -> memref<80xi32, #tpu.memory_space<vmem>>
        %dma_wait3A_166 = arith.constant 0 : i32
        %dma_wait3A_167 = arith.constant 0 : i32
        %dma_wait3A_168 = tpu.memref_slice %arg10[%dma_wait3A_166, %dma_wait3A_167] : memref<10112x128xf32, #tpu.memory_space<vmem_shared>> -> memref<10112x128xf32, #tpu.memory_space<vmem_shared>>
        tpu.wait_indirect_dma semaphore(%run_scoped3A_156 : memref<!tpu.dma_semaphore, #tpu.memory_space<semaphore_mem>>) src(%arg9 : memref<80x128xf32, #tpu.memory_space<vmem>>) dst(%dma_wait3A_168 : memref<10112x128xf32, #tpu.memory_space<vmem_shared>>)
        tpu.yield
      }) : () -> ()
    }
    %scan3A_44 = arith.constant 62 : i32
    %dma_wait3A = arith.constant 0 : i32
    %dma_wait3A_45 = arith.constant 0 : i32
    %dma_wait3A_46 = tpu.memref_slice %arg8[%dma_wait3A, %dma_wait3A_45] : memref<80x128xf32, #tpu.memory_space<vmem>> -> memref<40x128xf32, #tpu.memory_space<vmem>>
    %dma_wait3A_47 = arith.constant 9920 : i32
    %dma_wait3A_48 = tpu.memref_slice %arg6[%dma_wait3A_47] : memref<10000xi32, #tpu.memory_space<vmem>> -> memref<40xi32, #tpu.memory_space<vmem>>
    %dma_wait3A_49 = arith.constant 0 : i32
    %dma_wait3A_50 = arith.constant 0 : i32
    %dma_wait3A_51 = tpu.memref_slice %arg2[%dma_wait3A_49, %dma_wait3A_50] : memref<10000x128xf32, #tpu.memory_space<hbm>> -> memref<10000x128xf32, #tpu.memory_space<hbm>>
    tpu.wait_indirect_dma semaphore(%arg11 : memref<!tpu.dma_semaphore, #tpu.memory_space<semaphore_mem>>) src(%dma_wait3A_51 : memref<10000x128xf32, #tpu.memory_space<hbm>>) dst(%dma_wait3A_46 : memref<40x128xf32, #tpu.memory_space<vmem>>)
    %dma_wait3A_52 = arith.constant 40 : i32
    %dma_wait3A_53 = arith.constant 0 : i32
    %dma_wait3A_54 = tpu.memref_slice %arg8[%dma_wait3A_52, %dma_wait3A_53] : memref<80x128xf32, #tpu.memory_space<vmem>> -> memref<40x128xf32, #tpu.memory_space<vmem>>
    %dma_wait3A_55 = arith.constant 9960 : i32
    %dma_wait3A_56 = tpu.memref_slice %arg6[%dma_wait3A_55] : memref<10000xi32, #tpu.memory_space<vmem>> -> memref<40xi32, #tpu.memory_space<vmem>>
    %dma_wait3A_57 = arith.constant 0 : i32
    %dma_wait3A_58 = arith.constant 0 : i32
    %dma_wait3A_59 = tpu.memref_slice %arg2[%dma_wait3A_57, %dma_wait3A_58] : memref<10000x128xf32, #tpu.memory_space<hbm>> -> memref<10000x128xf32, #tpu.memory_space<hbm>>
    tpu.wait_indirect_dma semaphore(%arg12 : memref<!tpu.dma_semaphore, #tpu.memory_space<semaphore_mem>>) src(%dma_wait3A_59 : memref<10000x128xf32, #tpu.memory_space<hbm>>) dst(%dma_wait3A_54 : memref<40x128xf32, #tpu.memory_space<vmem>>)
    %run_scoped3A = arith.constant 124 : i32
    "tpu.region"() ({
      %run_scoped3A_61 = tpu.sem_alloc : memref<!tpu.dma_semaphore, #tpu.memory_space<semaphore_mem>>
      %dma_start3A_62 = arith.constant 0 : i32
      %dma_start3A_63 = tpu.memref_slice %arg7[%run_scoped3A, %dma_start3A_62] : memref<125x80xi32, #tpu.memory_space<vmem>> -> memref<1x80xi32, #tpu.memory_space<vmem>>
      %dma_start3A_64 = tpu.memref_squeeze %dma_start3A_63 : memref<1x80xi32, #tpu.memory_space<vmem>> -> memref<80xi32, #tpu.memory_space<vmem>>
      %dma_start3A_65 = arith.constant 0 : i32
      %dma_start3A_66 = arith.constant 0 : i32
      %dma_start3A_67 = tpu.memref_slice %arg10[%dma_start3A_65, %dma_start3A_66] : memref<10112x128xf32, #tpu.memory_space<vmem_shared>> -> memref<10112x128xf32, #tpu.memory_space<vmem_shared>>
      tpu.enqueue_indirect_dma source(%arg8 : memref<80x128xf32, #tpu.memory_space<vmem>>) target(%dma_start3A_67 : memref<10112x128xf32, #tpu.memory_space<vmem_shared>>) offsets(%dma_start3A_64 : memref<80xi32, #tpu.memory_space<vmem>>) semaphore(%run_scoped3A_61 : memref<!tpu.dma_semaphore, #tpu.memory_space<semaphore_mem>>) {add = true}
      %dma_wait3A_68 = arith.constant 0 : i32
      %dma_wait3A_69 = tpu.memref_slice %arg7[%run_scoped3A, %dma_wait3A_68] : memref<125x80xi32, #tpu.memory_space<vmem>> -> memref<1x80xi32, #tpu.memory_space<vmem>>
      %dma_wait3A_70 = tpu.memref_squeeze %dma_wait3A_69 : memref<1x80xi32, #tpu.memory_space<vmem>> -> memref<80xi32, #tpu.memory_space<vmem>>
      %dma_wait3A_71 = arith.constant 0 : i32
      %dma_wait3A_72 = arith.constant 0 : i32
      %dma_wait3A_73 = tpu.memref_slice %arg10[%dma_wait3A_71, %dma_wait3A_72] : memref<10112x128xf32, #tpu.memory_space<vmem_shared>> -> memref<10112x128xf32, #tpu.memory_space<vmem_shared>>
      tpu.wait_indirect_dma semaphore(%run_scoped3A_61 : memref<!tpu.dma_semaphore, #tpu.memory_space<semaphore_mem>>) src(%arg8 : memref<80x128xf32, #tpu.memory_space<vmem>>) dst(%dma_wait3A_73 : memref<10112x128xf32, #tpu.memory_space<vmem_shared>>)
      tpu.yield
    }) : () -> ()
    %barrier3A_60 = arith.constant 0 : index
    tpu.barrier barrier_id(%barrier3A_60)
    "tpu.region"() ({
      %run_scoped3A_61 = tpu.sem_alloc : memref<!tpu.dma_semaphore, #tpu.memory_space<semaphore_mem>>
      %dma_start3A_62 = arith.constant 0 : i32
      %dma_start3A_63 = tpu.memref_slice %arg5[%arg0, %mul3A_22, %dma_start3A_62] : memref<2x10112x128xf32, #tpu.memory_space<hbm>> -> memref<1x632x128xf32, #tpu.memory_space<hbm>>
      %dma_start3A_64 = tpu.memref_squeeze %dma_start3A_63 : memref<1x632x128xf32, #tpu.memory_space<hbm>> -> memref<632x128xf32, #tpu.memory_space<hbm>>
      %dma_start3A_65 = arith.constant 0 : i32
      %dma_start3A_66 = tpu.memref_slice %arg10[%mul3A_22, %dma_start3A_65] : memref<10112x128xf32, #tpu.memory_space<vmem_shared>> -> memref<632x128xf32, #tpu.memory_space<vmem_shared>>
      tpu.enqueue_dma source(%dma_start3A_66 : memref<632x128xf32, #tpu.memory_space<vmem_shared>>) target(%dma_start3A_64 : memref<632x128xf32, #tpu.memory_space<hbm>>) target_semaphore(%run_scoped3A_61 : memref<!tpu.dma_semaphore, #tpu.memory_space<semaphore_mem>>)
      %dma_wait3A_67 = arith.constant 0 : i32
      %dma_wait3A_68 = tpu.memref_slice %arg5[%arg0, %mul3A_22, %dma_wait3A_67] : memref<2x10112x128xf32, #tpu.memory_space<hbm>> -> memref<1x632x128xf32, #tpu.memory_space<hbm>>
      %dma_wait3A_69 = tpu.memref_squeeze %dma_wait3A_68 : memref<1x632x128xf32, #tpu.memory_space<hbm>> -> memref<632x128xf32, #tpu.memory_space<hbm>>
      %dma_wait3A_70 = arith.constant 0 : i32
      %dma_wait3A_71 = tpu.memref_slice %arg10[%mul3A_22, %dma_wait3A_70] : memref<10112x128xf32, #tpu.memory_space<vmem_shared>> -> memref<632x128xf32, #tpu.memory_space<vmem_shared>>
      tpu.wait_dma2 semaphore(%run_scoped3A_61 : memref<!tpu.dma_semaphore, #tpu.memory_space<semaphore_mem>>) src(%dma_wait3A_71 : memref<632x128xf32, #tpu.memory_space<vmem_shared>>) dst(%dma_wait3A_69 : memref<632x128xf32, #tpu.memory_space<hbm>>)
      tpu.yield
    }) : () -> ()
    return
  }
}

#map = affine_map<(d0, d1) -> (0, 0, 0)>
#map1 = affine_map<(d0, d1) -> (0, 0)>
module attributes {stable_mosaic.version = 14 : i64} {
  func.func @_sc_deg(%arg0: i32, %arg1: i32, %arg2: memref<32x125x80xi32, #tpu.memory_space<hbm>>, %arg3: memref<2x10240xf32, #tpu.memory_space<hbm>>, %arg4: memref<125x80xi32, #tpu.memory_space<vmem>>, %arg5: memref<80xf32, #tpu.memory_space<vmem>>, %arg6: memref<640xf32, #tpu.memory_space<vmem>>, %arg7: memref<10240xf32, #tpu.memory_space<vmem_shared>>) attributes {dimension_semantics = [#tpu.dimension_semantics<core_parallel>, #tpu.dimension_semantics<subcore_parallel>], iteration_bounds = array<i64: 2, 16>, scalar_prefetch = 0 : i64, scratch_operands = 4 : i64, tpu.core_type = #tpu.core_type<sc_vector_subcore>, window_params = [{transform_indices = #map}, {transform_indices = #map1}]} {
    %mul3A = arith.constant 2 : i32
    %mul3A_0 = arith.muli %arg1, %mul3A : i32
    %add3A = arith.addi %mul3A_0, %arg0 : i32
    "tpu.region"() ({
      %run_scoped3A = tpu.sem_alloc : memref<!tpu.dma_semaphore, #tpu.memory_space<semaphore_mem>>
      %dma_start3A = arith.constant 0 : i32
      %dma_start3A_21 = arith.constant 0 : i32
      %dma_start3A_22 = tpu.memref_slice %arg2[%add3A, %dma_start3A, %dma_start3A_21] : memref<32x125x80xi32, #tpu.memory_space<hbm>> -> memref<1x125x80xi32, #tpu.memory_space<hbm>>
      %dma_start3A_23 = tpu.memref_squeeze %dma_start3A_22 : memref<1x125x80xi32, #tpu.memory_space<hbm>> -> memref<125x80xi32, #tpu.memory_space<hbm>>
      %dma_start3A_24 = arith.constant 0 : i32
      %dma_start3A_25 = arith.constant 0 : i32
      %dma_start3A_26 = tpu.memref_slice %arg2[%add3A, %dma_start3A_24, %dma_start3A_25] : memref<32x125x80xi32, #tpu.memory_space<hbm>> -> memref<1x125x80xi32, #tpu.memory_space<hbm>>
      %dma_start3A_27 = tpu.memref_squeeze %dma_start3A_26 : memref<1x125x80xi32, #tpu.memory_space<hbm>> -> memref<125x80xi32, #tpu.memory_space<hbm>>
      tpu.enqueue_dma source(%dma_start3A_27 : memref<125x80xi32, #tpu.memory_space<hbm>>) target(%arg4 : memref<125x80xi32, #tpu.memory_space<vmem>>) target_semaphore(%run_scoped3A : memref<!tpu.dma_semaphore, #tpu.memory_space<semaphore_mem>>)
      %dma_wait3A = arith.constant 0 : i32
      %dma_wait3A_28 = arith.constant 0 : i32
      %dma_wait3A_29 = tpu.memref_slice %arg2[%add3A, %dma_wait3A, %dma_wait3A_28] : memref<32x125x80xi32, #tpu.memory_space<hbm>> -> memref<1x125x80xi32, #tpu.memory_space<hbm>>
      %dma_wait3A_30 = tpu.memref_squeeze %dma_wait3A_29 : memref<1x125x80xi32, #tpu.memory_space<hbm>> -> memref<125x80xi32, #tpu.memory_space<hbm>>
      %dma_wait3A_31 = arith.constant 0 : i32
      %dma_wait3A_32 = arith.constant 0 : i32
      %dma_wait3A_33 = tpu.memref_slice %arg2[%add3A, %dma_wait3A_31, %dma_wait3A_32] : memref<32x125x80xi32, #tpu.memory_space<hbm>> -> memref<1x125x80xi32, #tpu.memory_space<hbm>>
      %dma_wait3A_34 = tpu.memref_squeeze %dma_wait3A_33 : memref<1x125x80xi32, #tpu.memory_space<hbm>> -> memref<125x80xi32, #tpu.memory_space<hbm>>
      tpu.wait_dma2 semaphore(%run_scoped3A : memref<!tpu.dma_semaphore, #tpu.memory_space<semaphore_mem>>) src(%dma_wait3A_34 : memref<125x80xi32, #tpu.memory_space<hbm>>) dst(%arg4 : memref<125x80xi32, #tpu.memory_space<vmem>>)
      tpu.yield
    }) : () -> ()
    %scan3A = arith.constant 0 : i32
    %scan3A_1 = arith.constant 0 : i32
    %scan3A_2 = arith.constant 5 : i32
    %scan3A_3 = arith.addi %scan3A_1, %scan3A_2 : i32
    %scan3A_4 = arith.constant 1 : i32
    scf.for %scan3A_21 = %scan3A_1 to %scan3A_3 step %scan3A_4  : i32 {
      %broadcast_in_dim3A = arith.constant 1.000000e+00 : f32
      %broadcast_in_dim3A_22 = vector.broadcast %broadcast_in_dim3A : f32 to vector<16xf32>
      %mul3A_23 = arith.constant 16 : i32
      %mul3A_24 = arith.muli %scan3A_21, %mul3A_23 : i32
      %swap3A = arith.index_cast %mul3A_24 : i32 to index
      %swap3A_25 = tpu.vector_load %arg5[%swap3A] {strides = array<i32>} : memref<80xf32, #tpu.memory_space<vmem>>, vector<16xf32>,
      %swap3A_26 = vector.shape_cast %swap3A_25 : vector<16xf32> to vector<16xf32>
      %swap3A_27 = vector.shape_cast %broadcast_in_dim3A_22 : vector<16xf32> to vector<16xf32>
      tpu.vector_store %arg5[%swap3A], %swap3A_27 {strides = array<i32>} : memref<80xf32, #tpu.memory_space<vmem>>, vector<16xf32>,
    }
    %scan3A_5 = arith.constant 5 : i32
    %scan3A_6 = arith.constant 0 : i32
    %scan3A_7 = arith.constant 0 : i32
    %scan3A_8 = arith.constant 40 : i32
    %scan3A_9 = arith.addi %scan3A_7, %scan3A_8 : i32
    %scan3A_10 = arith.constant 1 : i32
    scf.for %scan3A_21 = %scan3A_7 to %scan3A_9 step %scan3A_10  : i32 {
      %broadcast_in_dim3A = arith.constant 0.000000e+00 : f32
      %broadcast_in_dim3A_22 = vector.broadcast %broadcast_in_dim3A : f32 to vector<16xf32>
      %mul3A_23 = arith.constant 16 : i32
      %mul3A_24 = arith.muli %scan3A_21, %mul3A_23 : i32
      %swap3A = arith.index_cast %mul3A_24 : i32 to index
      %swap3A_25 = tpu.vector_load %arg6[%swap3A] {strides = array<i32>} : memref<640xf32, #tpu.memory_space<vmem>>, vector<16xf32>,
      %swap3A_26 = vector.shape_cast %swap3A_25 : vector<16xf32> to vector<16xf32>
      %swap3A_27 = vector.shape_cast %broadcast_in_dim3A_22 : vector<16xf32> to vector<16xf32>
      tpu.vector_store %arg6[%swap3A], %swap3A_27 {strides = array<i32>} : memref<640xf32, #tpu.memory_space<vmem>>, vector<16xf32>,
    }
    %scan3A_11 = arith.constant 40 : i32
    %mul3A_12 = arith.constant 640 : i32
    %mul3A_13 = arith.muli %arg1, %mul3A_12 : i32
    "tpu.region"() ({
      %run_scoped3A = tpu.sem_alloc : memref<!tpu.dma_semaphore, #tpu.memory_space<semaphore_mem>>
      %dma_start3A = tpu.memref_slice %arg7[%mul3A_13] : memref<10240xf32, #tpu.memory_space<vmem_shared>> -> memref<640xf32, #tpu.memory_space<vmem_shared>>
      %dma_start3A_21 = tpu.memref_slice %arg7[%mul3A_13] : memref<10240xf32, #tpu.memory_space<vmem_shared>> -> memref<640xf32, #tpu.memory_space<vmem_shared>>
      tpu.enqueue_dma source(%arg6 : memref<640xf32, #tpu.memory_space<vmem>>) target(%dma_start3A_21 : memref<640xf32, #tpu.memory_space<vmem_shared>>) target_semaphore(%run_scoped3A : memref<!tpu.dma_semaphore, #tpu.memory_space<semaphore_mem>>)
      %dma_wait3A = tpu.memref_slice %arg7[%mul3A_13] : memref<10240xf32, #tpu.memory_space<vmem_shared>> -> memref<640xf32, #tpu.memory_space<vmem_shared>>
      %dma_wait3A_22 = tpu.memref_slice %arg7[%mul3A_13] : memref<10240xf32, #tpu.memory_space<vmem_shared>> -> memref<640xf32, #tpu.memory_space<vmem_shared>>
      tpu.wait_dma2 semaphore(%run_scoped3A : memref<!tpu.dma_semaphore, #tpu.memory_space<semaphore_mem>>) src(%arg6 : memref<640xf32, #tpu.memory_space<vmem>>) dst(%dma_wait3A_22 : memref<640xf32, #tpu.memory_space<vmem_shared>>)
      tpu.yield
    }) : () -> ()
    %barrier3A = arith.constant 0 : index
    tpu.barrier barrier_id(%barrier3A)
    %scan3A_14 = arith.constant 0 : i32
    %scan3A_15 = arith.constant 0 : i32
    %scan3A_16 = arith.constant 125 : i32
    %scan3A_17 = arith.addi %scan3A_15, %scan3A_16 : i32
    %scan3A_18 = arith.constant 1 : i32
    scf.for %scan3A_21 = %scan3A_15 to %scan3A_17 step %scan3A_18  : i32 {
      "tpu.region"() ({
        %run_scoped3A = tpu.sem_alloc : memref<!tpu.dma_semaphore, #tpu.memory_space<semaphore_mem>>
        %dma_start3A = arith.constant 0 : i32
        %dma_start3A_22 = tpu.memref_slice %arg4[%scan3A_21, %dma_start3A] : memref<125x80xi32, #tpu.memory_space<vmem>> -> memref<1x80xi32, #tpu.memory_space<vmem>>
        %dma_start3A_23 = tpu.memref_squeeze %dma_start3A_22 : memref<1x80xi32, #tpu.memory_space<vmem>> -> memref<80xi32, #tpu.memory_space<vmem>>
        %dma_start3A_24 = arith.constant 0 : i32
        %dma_start3A_25 = tpu.memref_slice %arg7[%dma_start3A_24] : memref<10240xf32, #tpu.memory_space<vmem_shared>> -> memref<10240xf32, #tpu.memory_space<vmem_shared>>
        tpu.enqueue_indirect_dma source(%arg5 : memref<80xf32, #tpu.memory_space<vmem>>) target(%dma_start3A_25 : memref<10240xf32, #tpu.memory_space<vmem_shared>>) offsets(%dma_start3A_23 : memref<80xi32, #tpu.memory_space<vmem>>) semaphore(%run_scoped3A : memref<!tpu.dma_semaphore, #tpu.memory_space<semaphore_mem>>) {add = true}
        %dma_wait3A = arith.constant 0 : i32
        %dma_wait3A_26 = tpu.memref_slice %arg4[%scan3A_21, %dma_wait3A] : memref<125x80xi32, #tpu.memory_space<vmem>> -> memref<1x80xi32, #tpu.memory_space<vmem>>
        %dma_wait3A_27 = tpu.memref_squeeze %dma_wait3A_26 : memref<1x80xi32, #tpu.memory_space<vmem>> -> memref<80xi32, #tpu.memory_space<vmem>>
        %dma_wait3A_28 = arith.constant 0 : i32
        %dma_wait3A_29 = tpu.memref_slice %arg7[%dma_wait3A_28] : memref<10240xf32, #tpu.memory_space<vmem_shared>> -> memref<10240xf32, #tpu.memory_space<vmem_shared>>
        tpu.wait_indirect_dma semaphore(%run_scoped3A : memref<!tpu.dma_semaphore, #tpu.memory_space<semaphore_mem>>) src(%arg5 : memref<80xf32, #tpu.memory_space<vmem>>) dst(%dma_wait3A_29 : memref<10240xf32, #tpu.memory_space<vmem_shared>>)
        tpu.yield
      }) : () -> ()
    }
    %scan3A_19 = arith.constant 125 : i32
    %barrier3A_20 = arith.constant 0 : index
    tpu.barrier barrier_id(%barrier3A_20)
    "tpu.region"() ({
      %run_scoped3A = tpu.sem_alloc : memref<!tpu.dma_semaphore, #tpu.memory_space<semaphore_mem>>
      %dma_start3A = tpu.memref_slice %arg3[%arg0, %mul3A_13] : memref<2x10240xf32, #tpu.memory_space<hbm>> -> memref<1x640xf32, #tpu.memory_space<hbm>>
      %dma_start3A_21 = tpu.memref_squeeze %dma_start3A : memref<1x640xf32, #tpu.memory_space<hbm>> -> memref<640xf32, #tpu.memory_space<hbm>>
      %dma_start3A_22 = tpu.memref_slice %arg7[%mul3A_13] : memref<10240xf32, #tpu.memory_space<vmem_shared>> -> memref<640xf32, #tpu.memory_space<vmem_shared>>
      tpu.enqueue_dma source(%dma_start3A_22 : memref<640xf32, #tpu.memory_space<vmem_shared>>) target(%dma_start3A_21 : memref<640xf32, #tpu.memory_space<hbm>>) target_semaphore(%run_scoped3A : memref<!tpu.dma_semaphore, #tpu.memory_space<semaphore_mem>>)
      %dma_wait3A = tpu.memref_slice %arg3[%arg0, %mul3A_13] : memref<2x10240xf32, #tpu.memory_space<hbm>> -> memref<1x640xf32, #tpu.memory_space<hbm>>
      %dma_wait3A_23 = tpu.memref_squeeze %dma_wait3A : memref<1x640xf32, #tpu.memory_space<hbm>> -> memref<640xf32, #tpu.memory_space<hbm>>
      %dma_wait3A_24 = tpu.memref_slice %arg7[%mul3A_13] : memref<10240xf32, #tpu.memory_space<vmem_shared>> -> memref<640xf32, #tpu.memory_space<vmem_shared>>
      tpu.wait_dma2 semaphore(%run_scoped3A : memref<!tpu.dma_semaphore, #tpu.memory_space<semaphore_mem>>) src(%dma_wait3A_24 : memref<640xf32, #tpu.memory_space<vmem_shared>>) dst(%dma_wait3A_23 : memref<640xf32, #tpu.memory_space<hbm>>)
      tpu.yield
    }) : () -> ()
    return
  }
}

module attributes {stable_mosaic.version = 14 : i64} {
  func.func @_mm1_body(%arg0: i32, %arg1: memref<1000x128xf32, #tpu.memory_space<vmem>>, %arg2: memref<128x128xf32, #tpu.memory_space<vmem>>, %arg3: memref<1000x2xf32, #tpu.memory_space<vmem>>, %arg4: memref<1000x128xf32, #tpu.memory_space<vmem>>) attributes {dimension_semantics = [#tpu.dimension_semantics<arbitrary>], iteration_bounds = array<i64: 10>, scalar_prefetch = 0 : i64, scratch_operands = 0 : i64, tpu.core_type = #tpu.core_type<tc>, window_params = [{transform_indices = @transform_0, window_bounds = array<i64: 1000, 128>}, {pipeline_mode = #tpu.pipeline_mode<synchronous>, transform_indices = @transform_1, window_bounds = array<i64: 128, 128>}, {transform_indices = @transform_2, window_bounds = array<i64: 1000, 2>}, {transform_indices = @transform_3, window_bounds = array<i64: 1000, 128>}]} {
    %get3A = arith.constant 0 : index
    %get3A_0 = arith.constant 0 : index
    %get3A_1 = vector.load %arg3[%get3A, %get3A_0] : memref<1000x2xf32, #tpu.memory_space<vmem>>, vector<1000x2xf32>
    %slice3A = vector.extract_strided_slice %get3A_1 {offsets = [0, 0], sizes = [1000, 1], strides = [1, 1]} : vector<1000x2xf32> to vector<1000x1xf32>
    %slice3A_2 = vector.extract_strided_slice %get3A_1 {offsets = [0, 1], sizes = [1000, 1], strides = [1, 1]} : vector<1000x2xf32> to vector<1000x1xf32>
    %add3A = arith.addf %slice3A, %slice3A_2 : vector<1000x1xf32>
    %add3A_3 = arith.constant 1.000000e+00 : f32
    %add3A_4 = vector.broadcast %add3A_3 : f32 to vector<1000x1xf32>
    %add3A_5 = arith.addf %add3A, %add3A_4 : vector<1000x1xf32>
    %sqrt3A = math.sqrt %add3A_5 : vector<1000x1xf32>
    %div3A = arith.constant 1.000000e+00 : f32
    %div3A_6 = vector.broadcast %div3A : f32 to vector<1000x1xf32>
    %div3A_7 = arith.divf %div3A_6, %sqrt3A : vector<1000x1xf32>
    %get3A_8 = arith.constant 0 : index
    %get3A_9 = arith.constant 0 : index
    %get3A_10 = vector.load %arg1[%get3A_8, %get3A_9] : memref<1000x128xf32, #tpu.memory_space<vmem>>, vector<1000x128xf32>
    %get3A_11 = arith.constant 0 : index
    %get3A_12 = arith.constant 0 : index
    %get3A_13 = vector.load %arg2[%get3A_11, %get3A_12] : memref<128x128xf32, #tpu.memory_space<vmem>>, vector<128x128xf32>
    %dot_general3A = arith.constant dense<0.000000e+00> : vector<1000x128xf32>
    %dot_general3A_14 = tpu.matmul %get3A_10, %get3A_13, %dot_general3A {dimension_numbers = #tpu.dot_dimension_numbers<[1], [0], [0], [1], [0, 0, 1, 1], [], []>, transpose_lhs_hint = false} : vector<1000x128xf32>, vector<128x128xf32>, vector<1000x128xf32> -> vector<1000x128xf32>
    %mul3A = vector.broadcast %div3A_7 : vector<1000x1xf32> to vector<1000x128xf32>
    %mul3A_15 = arith.mulf %dot_general3A_14, %mul3A : vector<1000x128xf32>
    %swap3A = arith.constant 0 : index
    %swap3A_16 = arith.constant 0 : index
    %swap3A_17 = vector.load %arg4[%swap3A, %swap3A_16] : memref<1000x128xf32, #tpu.memory_space<vmem>>, vector<1000x128xf32>
    tpu.vector_store %arg4[%swap3A, %swap3A_16], %mul3A_15 {strides = array<i32>} : memref<1000x128xf32, #tpu.memory_space<vmem>>, vector<1000x128xf32>,
    return
  }
  func.func @transform_0(%arg0: i32) -> (i32, i32) {
    %c0_i32 = arith.constant 0 : i32
    %c0_i32_0 = arith.constant 0 : i32
    return %arg0, %c0_i32 : i32, i32
  }
  func.func @transform_1(%arg0: i32) -> (i32, i32) {
    %c0_i32 = arith.constant 0 : i32
    %c0_i32_0 = arith.constant 0 : i32
    %c0_i32_1 = arith.constant 0 : i32
    return %c0_i32, %c0_i32_0 : i32, i32
  }
  func.func @transform_2(%arg0: i32) -> (i32, i32) {
    %c0_i32 = arith.constant 0 : i32
    %c0_i32_0 = arith.constant 0 : i32
    return %arg0, %c0_i32 : i32, i32
  }
  func.func @transform_3(%arg0: i32) -> (i32, i32) {
    %c0_i32 = arith.constant 0 : i32
    %c0_i32_0 = arith.constant 0 : i32
    return %arg0, %c0_i32 : i32, i32
  }
}

module attributes {stable_mosaic.version = 14 : i64} {
  func.func @_mm2_body(%arg0: i32, %arg1: memref<1x1000x128xf32, #tpu.memory_space<vmem>>, %arg2: memref<1x1000x128xf32, #tpu.memory_space<vmem>>, %arg3: memref<1000x128xf32, #tpu.memory_space<vmem>>, %arg4: memref<1000x2xf32, #tpu.memory_space<vmem>>, %arg5: memref<1x128xf32, #tpu.memory_space<vmem>>, %arg6: memref<128x128xf32, #tpu.memory_space<vmem>>, %arg7: memref<1000x128xf32, #tpu.memory_space<vmem>>) attributes {dimension_semantics = [#tpu.dimension_semantics<arbitrary>], iteration_bounds = array<i64: 10>, scalar_prefetch = 0 : i64, scratch_operands = 0 : i64, tpu.core_type = #tpu.core_type<tc>, window_params = [{transform_indices = @transform_0, window_bounds = array<i64: 1, 1000, 128>}, {transform_indices = @transform_1, window_bounds = array<i64: 1, 1000, 128>}, {transform_indices = @transform_2, window_bounds = array<i64: 1000, 128>}, {transform_indices = @transform_3, window_bounds = array<i64: 1000, 2>}, {pipeline_mode = #tpu.pipeline_mode<synchronous>, transform_indices = @transform_4, window_bounds = array<i64: 1, 128>}, {pipeline_mode = #tpu.pipeline_mode<synchronous>, transform_indices = @transform_5, window_bounds = array<i64: 128, 128>}, {transform_indices = @transform_6, window_bounds = array<i64: 1000, 128>}]} {
    %get3A = arith.constant 0 : index
    %get3A_0 = arith.constant 0 : index
    %get3A_1 = vector.load %arg4[%get3A, %get3A_0] : memref<1000x2xf32, #tpu.memory_space<vmem>>, vector<1000x2xf32>
    %slice3A = vector.extract_strided_slice %get3A_1 {offsets = [0, 0], sizes = [1000, 1], strides = [1, 1]} : vector<1000x2xf32> to vector<1000x1xf32>
    %slice3A_2 = vector.extract_strided_slice %get3A_1 {offsets = [0, 1], sizes = [1000, 1], strides = [1, 1]} : vector<1000x2xf32> to vector<1000x1xf32>
    %add3A = arith.addf %slice3A, %slice3A_2 : vector<1000x1xf32>
    %add3A_3 = arith.constant 1.000000e+00 : f32
    %add3A_4 = vector.broadcast %add3A_3 : f32 to vector<1000x1xf32>
    %add3A_5 = arith.addf %add3A, %add3A_4 : vector<1000x1xf32>
    %sqrt3A = math.sqrt %add3A_5 : vector<1000x1xf32>
    %div3A = arith.constant 1.000000e+00 : f32
    %div3A_6 = vector.broadcast %div3A : f32 to vector<1000x1xf32>
    %div3A_7 = arith.divf %div3A_6, %sqrt3A : vector<1000x1xf32>
    %get3A_8 = arith.constant 0 : index
    %get3A_9 = arith.constant 0 : index
    %get3A_10 = arith.constant 0 : index
    %get3A_11 = vector.load %arg1[%get3A_8, %get3A_9, %get3A_10] : memref<1x1000x128xf32, #tpu.memory_space<vmem>>, vector<1x1000x128xf32>
    %get3A_12 = vector.shape_cast %get3A_11 : vector<1x1000x128xf32> to vector<1000x128xf32>
    %get3A_13 = arith.constant 0 : index
    %get3A_14 = arith.constant 0 : index
    %get3A_15 = arith.constant 0 : index
    %get3A_16 = vector.load %arg2[%get3A_13, %get3A_14, %get3A_15] : memref<1x1000x128xf32, #tpu.memory_space<vmem>>, vector<1x1000x128xf32>
    %get3A_17 = vector.shape_cast %get3A_16 : vector<1x1000x128xf32> to vector<1000x128xf32>
    %add3A_18 = arith.addf %get3A_12, %get3A_17 : vector<1000x128xf32>
    %get3A_19 = arith.constant 0 : index
    %get3A_20 = arith.constant 0 : index
    %get3A_21 = vector.load %arg3[%get3A_19, %get3A_20] : memref<1000x128xf32, #tpu.memory_space<vmem>>, vector<1000x128xf32>
    %add3A_22 = arith.addf %add3A_18, %get3A_21 : vector<1000x128xf32>
    %mul3A = vector.broadcast %div3A_7 : vector<1000x1xf32> to vector<1000x128xf32>
    %mul3A_23 = arith.mulf %add3A_22, %mul3A : vector<1000x128xf32>
    %get3A_24 = arith.constant 0 : index
    %get3A_25 = arith.constant 0 : index
    %get3A_26 = vector.load %arg5[%get3A_24, %get3A_25] : memref<1x128xf32, #tpu.memory_space<vmem>>, vector<1x128xf32>
    %add3A_27 = vector.broadcast %get3A_26 : vector<1x128xf32> to vector<1000x128xf32>
    %add3A_28 = arith.addf %mul3A_23, %add3A_27 : vector<1000x128xf32>
    %max3A = arith.constant 0.000000e+00 : f32
    %max3A_29 = vector.broadcast %max3A : f32 to vector<1000x128xf32>
    %max3A_30 = arith.maximumf %add3A_28, %max3A_29 : vector<1000x128xf32>
    %get3A_31 = arith.constant 0 : index
    %get3A_32 = arith.constant 0 : index
    %get3A_33 = vector.load %arg6[%get3A_31, %get3A_32] : memref<128x128xf32, #tpu.memory_space<vmem>>, vector<128x128xf32>
    %dot_general3A = arith.constant dense<0.000000e+00> : vector<1000x128xf32>
    %dot_general3A_34 = tpu.matmul %max3A_30, %get3A_33, %dot_general3A {dimension_numbers = #tpu.dot_dimension_numbers<[1], [0], [0], [1], [0, 0, 1, 1], [], []>, transpose_lhs_hint = false} : vector<1000x128xf32>, vector<128x128xf32>, vector<1000x128xf32> -> vector<1000x128xf32>
    %mul3A_35 = vector.broadcast %div3A_7 : vector<1000x1xf32> to vector<1000x128xf32>
    %mul3A_36 = arith.mulf %dot_general3A_34, %mul3A_35 : vector<1000x128xf32>
    %swap3A = arith.constant 0 : index
    %swap3A_37 = arith.constant 0 : index
    %swap3A_38 = vector.load %arg7[%swap3A, %swap3A_37] : memref<1000x128xf32, #tpu.memory_space<vmem>>, vector<1000x128xf32>
    tpu.vector_store %arg7[%swap3A, %swap3A_37], %mul3A_36 {strides = array<i32>} : memref<1000x128xf32, #tpu.memory_space<vmem>>, vector<1000x128xf32>,
    return
  }
  func.func @transform_0(%arg0: i32) -> (i32, i32, i32) {
    %c0_i32 = arith.constant 0 : i32
    %c0_i32_0 = arith.constant 0 : i32
    %c0_i32_1 = arith.constant 0 : i32
    return %c0_i32, %arg0, %c0_i32_0 : i32, i32, i32
  }
  func.func @transform_1(%arg0: i32) -> (i32, i32, i32) {
    %c1_i32 = arith.constant 1 : i32
    %c0_i32 = arith.constant 0 : i32
    %c0_i32_0 = arith.constant 0 : i32
    return %c1_i32, %arg0, %c0_i32 : i32, i32, i32
  }
  func.func @transform_2(%arg0: i32) -> (i32, i32) {
    %c0_i32 = arith.constant 0 : i32
    %c0_i32_0 = arith.constant 0 : i32
    return %arg0, %c0_i32 : i32, i32
  }
  func.func @transform_3(%arg0: i32) -> (i32, i32) {
    %c0_i32 = arith.constant 0 : i32
    %c0_i32_0 = arith.constant 0 : i32
    return %arg0, %c0_i32 : i32, i32
  }
  func.func @transform_4(%arg0: i32) -> (i32, i32) {
    %c0_i32 = arith.constant 0 : i32
    %c0_i32_0 = arith.constant 0 : i32
    %c0_i32_1 = arith.constant 0 : i32
    return %c0_i32, %c0_i32_0 : i32, i32
  }
  func.func @transform_5(%arg0: i32) -> (i32, i32) {
    %c0_i32 = arith.constant 0 : i32
    %c0_i32_0 = arith.constant 0 : i32
    %c0_i32_1 = arith.constant 0 : i32
    return %c0_i32, %c0_i32_0 : i32, i32
  }
  func.func @transform_6(%arg0: i32) -> (i32, i32) {
    %c0_i32 = arith.constant 0 : i32
    %c0_i32_0 = arith.constant 0 : i32
    return %arg0, %c0_i32 : i32, i32
  }
}

module attributes {stable_mosaic.version = 14 : i64} {
  func.func @_fin_body(%arg0: i32, %arg1: memref<1x1000x128xf32, #tpu.memory_space<vmem>>, %arg2: memref<1x1000x128xf32, #tpu.memory_space<vmem>>, %arg3: memref<1000x128xf32, #tpu.memory_space<vmem>>, %arg4: memref<1000x2xf32, #tpu.memory_space<vmem>>, %arg5: memref<1x128xf32, #tpu.memory_space<vmem>>, %arg6: memref<1000x128xf32, #tpu.memory_space<vmem>>) attributes {dimension_semantics = [#tpu.dimension_semantics<arbitrary>], iteration_bounds = array<i64: 10>, scalar_prefetch = 0 : i64, scratch_operands = 0 : i64, tpu.core_type = #tpu.core_type<tc>, window_params = [{transform_indices = @transform_0, window_bounds = array<i64: 1, 1000, 128>}, {transform_indices = @transform_1, window_bounds = array<i64: 1, 1000, 128>}, {transform_indices = @transform_2, window_bounds = array<i64: 1000, 128>}, {transform_indices = @transform_3, window_bounds = array<i64: 1000, 2>}, {pipeline_mode = #tpu.pipeline_mode<synchronous>, transform_indices = @transform_4, window_bounds = array<i64: 1, 128>}, {transform_indices = @transform_5, window_bounds = array<i64: 1000, 128>}]} {
    %get3A = arith.constant 0 : index
    %get3A_0 = arith.constant 0 : index
    %get3A_1 = vector.load %arg4[%get3A, %get3A_0] : memref<1000x2xf32, #tpu.memory_space<vmem>>, vector<1000x2xf32>
    %slice3A = vector.extract_strided_slice %get3A_1 {offsets = [0, 0], sizes = [1000, 1], strides = [1, 1]} : vector<1000x2xf32> to vector<1000x1xf32>
    %slice3A_2 = vector.extract_strided_slice %get3A_1 {offsets = [0, 1], sizes = [1000, 1], strides = [1, 1]} : vector<1000x2xf32> to vector<1000x1xf32>
    %add3A = arith.addf %slice3A, %slice3A_2 : vector<1000x1xf32>
    %add3A_3 = arith.constant 1.000000e+00 : f32
    %add3A_4 = vector.broadcast %add3A_3 : f32 to vector<1000x1xf32>
    %add3A_5 = arith.addf %add3A, %add3A_4 : vector<1000x1xf32>
    %sqrt3A = math.sqrt %add3A_5 : vector<1000x1xf32>
    %div3A = arith.constant 1.000000e+00 : f32
    %div3A_6 = vector.broadcast %div3A : f32 to vector<1000x1xf32>
    %div3A_7 = arith.divf %div3A_6, %sqrt3A : vector<1000x1xf32>
    %get3A_8 = arith.constant 0 : index
    %get3A_9 = arith.constant 0 : index
    %get3A_10 = arith.constant 0 : index
    %get3A_11 = vector.load %arg1[%get3A_8, %get3A_9, %get3A_10] : memref<1x1000x128xf32, #tpu.memory_space<vmem>>, vector<1x1000x128xf32>
    %get3A_12 = vector.shape_cast %get3A_11 : vector<1x1000x128xf32> to vector<1000x128xf32>
    %get3A_13 = arith.constant 0 : index
    %get3A_14 = arith.constant 0 : index
    %get3A_15 = arith.constant 0 : index
    %get3A_16 = vector.load %arg2[%get3A_13, %get3A_14, %get3A_15] : memref<1x1000x128xf32, #tpu.memory_space<vmem>>, vector<1x1000x128xf32>
    %get3A_17 = vector.shape_cast %get3A_16 : vector<1x1000x128xf32> to vector<1000x128xf32>
    %add3A_18 = arith.addf %get3A_12, %get3A_17 : vector<1000x128xf32>
    %get3A_19 = arith.constant 0 : index
    %get3A_20 = arith.constant 0 : index
    %get3A_21 = vector.load %arg3[%get3A_19, %get3A_20] : memref<1000x128xf32, #tpu.memory_space<vmem>>, vector<1000x128xf32>
    %add3A_22 = arith.addf %add3A_18, %get3A_21 : vector<1000x128xf32>
    %mul3A = vector.broadcast %div3A_7 : vector<1000x1xf32> to vector<1000x128xf32>
    %mul3A_23 = arith.mulf %add3A_22, %mul3A : vector<1000x128xf32>
    %get3A_24 = arith.constant 0 : index
    %get3A_25 = arith.constant 0 : index
    %get3A_26 = vector.load %arg5[%get3A_24, %get3A_25] : memref<1x128xf32, #tpu.memory_space<vmem>>, vector<1x128xf32>
    %add3A_27 = vector.broadcast %get3A_26 : vector<1x128xf32> to vector<1000x128xf32>
    %add3A_28 = arith.addf %mul3A_23, %add3A_27 : vector<1000x128xf32>
    %swap3A = arith.constant 0 : index
    %swap3A_29 = arith.constant 0 : index
    %swap3A_30 = vector.load %arg6[%swap3A, %swap3A_29] : memref<1000x128xf32, #tpu.memory_space<vmem>>, vector<1000x128xf32>
    tpu.vector_store %arg6[%swap3A, %swap3A_29], %add3A_28 {strides = array<i32>} : memref<1000x128xf32, #tpu.memory_space<vmem>>, vector<1000x128xf32>,
    return
  }
  func.func @transform_0(%arg0: i32) -> (i32, i32, i32) {
    %c0_i32 = arith.constant 0 : i32
    %c0_i32_0 = arith.constant 0 : i32
    %c0_i32_1 = arith.constant 0 : i32
    return %c0_i32, %arg0, %c0_i32_0 : i32, i32, i32
  }
  func.func @transform_1(%arg0: i32) -> (i32, i32, i32) {
    %c1_i32 = arith.constant 1 : i32
    %c0_i32 = arith.constant 0 : i32
    %c0_i32_0 = arith.constant 0 : i32
    return %c1_i32, %arg0, %c0_i32 : i32, i32, i32
  }
  func.func @transform_2(%arg0: i32) -> (i32, i32) {
    %c0_i32 = arith.constant 0 : i32
    %c0_i32_0 = arith.constant 0 : i32
    return %arg0, %c0_i32 : i32, i32
  }
  func.func @transform_3(%arg0: i32) -> (i32, i32) {
    %c0_i32 = arith.constant 0 : i32
    %c0_i32_0 = arith.constant 0 : i32
    return %arg0, %c0_i32 : i32, i32
  }
  func.func @transform_4(%arg0: i32) -> (i32, i32) {
    %c0_i32 = arith.constant 0 : i32
    %c0_i32_0 = arith.constant 0 : i32
    %c0_i32_1 = arith.constant 0 : i32
    return %c0_i32, %c0_i32_0 : i32, i32
  }
  func.func @transform_5(%arg0: i32) -> (i32, i32) {
    %c0_i32 = arith.constant 0 : i32
    %c0_i32_0 = arith.constant 0 : i32
    return %arg0, %c0_i32 : i32, i32
  }
}

</mosaic_0001>

<sc_bundles>
// kernel: kernel.11.cloned.1.call-start
scs
__scs_entry_jumppad:
0x0: {  	(pc) =	sbr.rel $0x88, $3  }
0x1: {  	(tag) =	ssettag $0x0;
	lr =	simm.s32 $0x1  }
0x2: {  	[smem:$0x3F9B] =	sst lr;
	_ =	strace $0xD0000000  }
0x3: {  	_ = 	snop  }
0x4: {  	_ = 	snop  }
0x5: {  	_ = 	snop  }
0x6: {  	_ = 	snop  }
0x7: {  	_ = 	snop  }
__scs_overlays_trampoline_lowered:
0x8: {  	[smem:$0x3FAA] =	sst s0  }
0x9: {  	[smem:$0x3FAB] =	sst s1  }
0xa: {  	[smem:$0x3FAC] =	sst s2  }
0xb: {  	[smem:$0x3FAD] =	sst s3  }
0xc: {  	[smem:$0x3FAE] =	sst s4  }
0xd: {  	[smem:$0x3FAF] =	sst s5  }
0xe: {  	[smem:$0x3FB0] =	sst s6  }
0xf: {  	[smem:$0x3FB1] =	sst s7  }
0x10: {  	[smem:$0x3FB2] =	sst s8  }
0x11: {  	[smem:$0x3FB3] =	sst s9;
	s0 =	simm.s32 @!p0 $0x0  }
0x12: {  	s1 =	sld [smem:$0x3F99];
	s0 =	simm.s32 @p0 $0x1  }
0x13: {  	[smem:$0x3FB4] =	sst s0;
	s0 =	simm.s32 @!p1 $0x0  }
0x14: {  	s2 =	sld [smem:$0x3F98];
	s0 =	simm.s32 @p1 $0x1  }
0x15: {  	[smem:$0x3FB5] =	sst s0;
	s0 =	simm.s32 @!p2 $0x0  }
0x16: {  	s3 =	sld [smem:$0x3FDB];
	s0 =	simm.s32 @p2 $0x1  }
0x17: {  	s4 =	simm.s32 $0x1BF5;
	[smem:$0x3FB7] =	sst s0  }
0x18: {  	s0 =	sld [smem:$0x3F9A];
	_ =	swait.ge [sflag:s4], $0x0  }
0x19: {  	s7 =	sld [smem:$0x3F9B]  }
0x1a: {  	s8 =	sadd.s32 $0xFFFFE003, lr  }
0x1b: {  	s9 =	sadd.s32 $0xFFFFFEF7, lr;
	s5 =	simm.s32 $0xFFFFFFFF;
	p2 =	slt.u32 s8, $0xFFFFF086  }
0x1c: {  	p1 =	slt.u32 s9, $0xF7A;
	s5 =	simm.s32 @!p2 $0x0  }
0x1d: {  	s5 =	simm.s32 @p1 $0x1;
	p0 =	seq.s32 s7, s2  }
0x1e: {  	s7 =	smul.u32 @!p0 $0xF7A, s2;
	p2 =	seq.s32 @!p0 s5, $0x0  }
0x1f: {  	s9 =	smul.u32 $0xF7A, s1;
	s8 =	simm.s32 @!p0 $0x1BF5;
	p2 =	por !p2, p0  }
0x20: {  	[sflag:s8] =	ssyncset.s32 @!p0 $0xFFFFF086;
	s6 =	sadd.s32 @!p0 s3, s7;
	s7 =	simm.s32 @!p0 $0x108  }
0x21: {  	s3 =	sadd.s32 s3, s9;
	s6 =	sadd.s32 @!p0 $0x88, s6;
	s7 =	simm.s32 @p2 $0x1082  }
0x22: {  	[simem:s7], [sflag:s8] =	dma.local @!p0 [hbm:s6], $0xF7A  }
0x23: {  	s9 =	sor.u32 $0xD0000000, s2;
	s6 =	simm.s32 $0x108;
	_ =	swait.ge @!p0 [sflag:s8], $0x0  }
0x24: {  	s3 =	sadd.s32 $0x88, s3;
	s6 =	simm.s32 @!p1 $0x1082;
	[sflag:s4] =	ssyncset.s32 $0xFFFFF086  }
0x25: {  	[simem:s6], [sflag:s4] =	dma.local [hbm:s3], $0xF7A  }
0x26: {  	[smem:$0x3F9B] =	sst s1;
	(tag) =	ssettag s2;
	_ =	strace s9  }
0x27: {  	s1 =	sld [smem:$0x3FAB]  }
0x28: {  	s2 =	sld [smem:$0x3FAC]  }
0x29: {  	s4 =	sld [smem:$0x3FAE]  }
0x2a: {  	p0 =	seq.s32 s5, $0x0;
	s5 =	sld [smem:$0x3FAF]  }
0x2b: {  	s6 =	sld [smem:$0x3FB0]  }
0x2c: {  	s7 =	sld [smem:$0x3FB1]  }
0x2d: {  	s3 =	simm.s32 $0x108;
	s8 =	sld [smem:$0x3FB2]  }
0x2e: {  	s3 =	simm.s32 @!p0 $0x1082;
	s9 =	sld [smem:$0x3FB3]  }
0x2f: {  	lr =	sadd.s32 s0, s3;
	s0 =	sld [smem:$0x3FAA]  }
0x30: {  	s3 =	sld [smem:$0x3FAD]  }
0x31: {  	[smem:$0x3FB6] =	sst s10  }
0x32: {  	s10 =	sld [smem:$0x3FB4];
	_ =	sdelay $0x3  }
0x33: {  	p0 =	seq.s32 s10, $0x1;
	s10 =	sld [smem:$0x3FB6];
	_ =	sdelay $0x3  }
0x34: {  	[smem:$0x3FB6] =	sst s10  }
0x35: {  	s10 =	sld [smem:$0x3FB5];
	_ =	sdelay $0x3  }
0x36: {  	p1 =	seq.s32 s10, $0x1;
	s10 =	sld [smem:$0x3FB6];
	_ =	sdelay $0x3  }
0x37: {  	[smem:$0x3FB6] =	sst s10  }
0x38: {  	s10 =	sld [smem:$0x3FB7]  }
0x39: {  	_ = 	snop;
	(pc) =	sbr.ind lr, $3  }
0x3a: {  	_ = 	snop  }
0x3b: {  	_ = 	snop  }
0x3c: {  	p2 =	seq.s32 s10, $0x1;
	s10 =	sld [smem:$0x3FB6]  }
0x3d: {  	_ =	shalt  }
0x3e: {  	_ =	shalt  }
0x3f: {  	_ =	shalt  }
0x40: {  	_ =	shalt  }
0x41: {  	_ =	shalt  }
0x42: {  	_ =	shalt  }
0x43: {  	_ =	shalt  }
0x44: {  	_ =	shalt  }
0x45: {  	_ =	shalt  }
0x46: {  	_ =	shalt  }
0x47: {  	_ =	shalt  }
0x48: {  	_ =	shalt  }
0x49: {  	_ =	shalt  }
0x4a: {  	_ =	shalt  }
0x4b: {  	_ =	shalt  }
0x4c: {  	_ =	shalt  }
0x4d: {  	_ =	shalt  }
0x4e: {  	_ =	shalt  }
0x4f: {  	_ =	shalt  }
0x50: {  	_ =	shalt  }
0x51: {  	_ =	shalt  }
0x52: {  	_ =	shalt  }
0x53: {  	_ =	shalt  }
0x54: {  	_ =	shalt  }
0x55: {  	_ =	shalt  }
0x56: {  	_ =	shalt  }
0x57: {  	_ =	shalt  }
0x58: {  	_ =	shalt  }
0x59: {  	_ =	shalt  }
0x5a: {  	_ =	shalt  }
0x5b: {  	_ =	shalt  }
0x5c: {  	_ =	shalt  }
0x5d: {  	_ =	shalt  }
0x5e: {  	_ =	shalt  }
0x5f: {  	_ =	shalt  }
0x60: {  	_ =	shalt  }
0x61: {  	_ =	shalt  }
0x62: {  	_ =	shalt  }
0x63: {  	_ =	shalt  }
0x64: {  	_ =	shalt  }
0x65: {  	_ =	shalt  }
0x66: {  	_ =	shalt  }
0x67: {  	_ =	shalt  }
0x68: {  	_ =	shalt  }
0x69: {  	_ =	shalt  }
0x6a: {  	_ =	shalt  }
0x6b: {  	_ =	shalt  }
0x6c: {  	_ =	shalt  }
0x6d: {  	_ =	shalt  }
0x6e: {  	_ =	shalt  }
0x6f: {  	_ =	shalt  }
0x70: {  	_ =	shalt  }
0x71: {  	_ =	shalt  }
0x72: {  	_ =	shalt  }
0x73: {  	_ =	shalt  }
0x74: {  	_ =	shalt  }
0x75: {  	_ =	shalt  }
0x76: {  	_ =	shalt  }
0x77: {  	_ =	shalt  }
0x78: {  	_ =	shalt  }
0x79: {  	_ =	shalt  }
0x7a: {  	_ =	shalt  }
0x7b: {  	_ =	shalt  }
0x7c: {  	_ =	shalt  }
0x7d: {  	_ =	shalt  }
0x7e: {  	_ =	shalt  }
0x7f: {  	_ =	shalt  }
0x80: {  	_ =	shalt  }
0x81: {  	_ =	shalt  }
0x82: {  	_ =	shalt  }
0x83: {  	_ =	shalt  }
0x84: {  	_ =	shalt  }
0x85: {  	_ =	shalt  }
0x86: {  	_ =	shalt  }
0x87: {  	_ =	shalt  }
.Lfunc_end0:
.L_simem_size_0:
called_computation.1_lowered:
.L_overlay_start_0:
0x88: {  	s2 =	sld [smem:$0x3FD9]  }
0x89: {  	s3 =	sld [smem:$0x3FFE];
	_ =	sdelay $0x1  }
0x8a: {  	s1 =	srdreg.scid  }
0x8b: {  	s0 =	sand.u32 $0x1, s1  }
0x8c: {  	s17 =	sshll.u32 s0, $0xA;
	s2 =	sadd.s32 s3, s2  }
0x8d: {  	s2 =	sadd.s32 s2, s17  }
0x8e: {  	[smem:$0x3FC2] =	sst s2  }
0x8f: {  	_ = 	snop  }
0x90: {  	s2 =	sld [smem:$0x3FD0];
	(tm) =	ssettm $0x1  }
0x91: {  	s18 =	sld [smem:$0x3FFB];
	_ =	sdelay $0x3  }
0x92: {  	_ =	strace s18  }
0x93: {  	s3 =	sld [smem:$0x3FFC];
	_ =	sdelay $0x3  }
0x94: {  	_ =	strace s3  }
0x95: {  	s3 =	sld [smem:$0x3FFD];
	_ =	sdelay $0x3  }
0x96: {  	_ =	strace s3  }
0x97: {  	_ =	strace $0x8FFFFFFF  }
0x98: {  	s19 =	sld [smem:$0x3FDB];
	_ =	sdelay $0x1  }
0x99: {  	s4 =	simm.s32 $_scs_section_size  }
0x9a: {  	s5 =	simm.s32 $_size__tile_overlayer_lowered;
	s6 =	simm.s32 $_tile_overlayer_lowered  }
0x9b: {  	s22 =	simm.s32 $0x1BFF;
	s21 =	sshll.u32 s6, $0x1;
	s3 =	sadd.s32 s4, s19  }
0x9c: {  	s7 =	simm.s32 $0x0;
	s20 =	sshll.u32 s5, $0x1;
	s5 =	sadd.s32 s21, s3  }
0x9d: {  	[timem:s7], [sflag:s22] =	dma.local [hbm:s5], s20  }
0x9e: {  	_ =	swait.ge [sflag:s22], s20  }
0x9f: {  	s4 =	ssub.s32 $0x0, s20;
	[sflag:s22] =	ssyncset.done $0x0  }
0xa0: {  	[sflag:s22] =	ssyncadd.s32 s4;
	_ =	sdelay $0x1  }
0xa1: {  	s23 =	simm.s32 $0x1B8B  }
0xa2: {  	_ =	swait.ge [sflag:s23], $0x1  }
0xa3: {  	[sflag:s23] =	ssyncset.done $0x0  }
0xa4: {  	s25 =	simm.s32 $0x1B8E;
	s24 =	sld [smem:$0x3FFE];
	[sflag:s23] =	ssyncadd.s32 $0xFFFFFFFF  }
0xa5: {  	s26 =	simm.s32 $execute0_lowered;
	[smem:$0x3FD2] =	sst s25  }
0xa6: {  	s5 =	sshll.u32 s26, $0x1;
	_ =	strace $0x80000049;
	[dreg:$0x1] =	wrdreg $0xFFFFFFFF  }
0xa7: {  	s28 =	simm.s32 $_size_execute0_lowered;
	s3 =	sadd.s32 s3, s5;
	[dreg:$0x0] =	wrdreg $0x0  }
0xa8: {  	s5 =	sshll.u32 s28, $0x1;
	[dreg:$0x2] =	wrdreg s3  }
0xa9: {  	[dreg:$0x3] =	wrdreg s5  }
0xaa: {  	[dreg:$0x4] =	wrdreg $0xC0  }
0xab: {  	_ =	task [dreg:s7], $0x5FFFF  }
0xac: {  	[dreg:$0x1] =	wrdreg $0xFFFFFFFF  }
0xad: {  	[dreg:$0x0] =	wrdreg $0x60  }
0xae: {  	[dreg:$0x2] =	wrdreg s2  }
0xaf: {  	[dreg:$0x3] =	wrdreg s24  }
0xb0: {  	[dreg:$0x4] =	wrdreg $0xB7800  }
0xb1: {  	[dreg:$0x5] =	wrdreg $0x9  }
0xb2: {  	_ =	task.clear_ibuf [dreg:s7], $0x6FFFF;
	_ =	strace $0x90000049  }
0xb3: {  	s29 =	simm.s32 $0x9;
	_ =	strace $0x8000004B  }
0xb4: {  	_ =	swait.ge [sflag:s29], $0x1  }
0xb5: {  	[sflag:s29] =	ssyncadd.s32 $0xFFFFFFFF  }
0xb6: {  	_ =	strace $0x9000004B  }
0xb7: {  	_ =	sfence  }
0xb8: {  	s30 =	sld [smem:$0x0];
	_ =	sdelay $0x2  }
0xb9: {  	s31 =	sshll.u32 s1, $0xD;
	s1 =	sshrl.u32 s1, $0x2  }
0xba: {  	s3 =	sand.u32 $0x4000, s31;
	s1 =	sadd.s32 s1, s30  }
0xbb: {  	s0 =	sor.u32 s3, s0;
	s1 =	sshll.u32 s1, $0x11  }
0xbc: {  	s0 =	sor.u32 s1, s0  }
0xbd: {  	s0 =	sadd.s32 $0x8F2B, s0  }
0xbe: {  	[sflag:s0] =	ssyncadd.remote.s32 $0x1  }
0xbf: {  	_ =	sfence.sel $0xFFFF  }
0xc0: {  	[dreg:$0x0] =	wrdreg $0xFFFFFFFF;
	(pc) =	sbr.abs _section_cstart, $3  }
0xc1: {  	[dreg:$0x1] =	wrdreg $0xFFFFFFFF  }
0xc2: {  	_ =	task.clear_ibuf [dreg:s7], $0x2FFFF;
	_ =	strace $0x9FFFFFFF  }
0xc3: {  	(tm) =	ssettm $0x7FFFFFFF  }
tec
execute0_lowered:
.L_overlay_start_1:
0x0: {  	(tag) =	ssettag $0x1  }
0x1: {  	s1 =	rddreg [dreg:$0x0]  }
0x2: {  	s0 =	srdreg.scid;
	s5 =	rddreg [dreg:$0x1]  }
0x3: {  	s9 =	stileid.u32;
	s3 =	rddreg [dreg:$0x2]  }
0x4: {  	s19 =	simm.s32 $0x5;
	s21 =	simm.s32 $0x28;
	s22 =	simm.s32 $0x6780  }
0x5: {  	s23 =	simm.s32 $0x7B80;
	s24 =	simm.s32 $0x8F80;
	s28 =	simm.s32 $0x2  }
0x6: {  	s29 =	simm.s32 $0x50;
	s30 =	simm.s32 $0x3;
	s8 =	smul.u32 $0x13C00, s9  }
0x7: {  	s2 =	sshll.u32 s9, $0x1;
	s4 =	sshrl.u32 s9, $0x2;
	s9 =	smul.u32 $0x4F000, s9  }
0x8: {  	s31 =	simm.s32 $0x4;
	s0 =	sand.u32 $0x1, s0;
	s6 =	smul.u32 $0x13C00, s4  }
0x9: {  	s2 =	sor.u32 s0, s2;
	s4 =	simm.s32 $0x0;
	s25 =	smul.u32 $0x13C000, s0  }
0xa: {  	s0 =	ssub.s32 $0x2, s0;
	s7 =	sshll.u32 s2, $0x7;
	[smem:$0x7FF] =	sst s4  }
0xb: {  	s2 =	sshll.u32 s2, $0xB;
	s26 =	sshrl.u32 s0, $0x1;
	s9 =	sshrl.u32 s9, $0x2  }
0xc: {  	s7 =	sand.u32 $0x380, s7;
	_ =	strace $0x8000004A;
	s2 =	sadd.s32 s2, s5  }
0xd: {  	s0 =	ssub.s32 s0, s26;
	s26 =	simm.s32 $0x1;
	s6 =	sor.u32 s6, s7  }
0xe: {  	s7 =	sadd.s32 s8, s25;
	s2 =	sadd.s32 $0x1E00, s2;
	s16 =	smax.u32 s0, $0x1  }
0xf: {  	s25 =	simm.s32 $0xA380;
	s0 =	simm.s32 $0x0;
	s6 =	sshrl.u32 s6, $0x3  }
0x10: {  	s7 =	sshrl.u32 s7, $0x3;
	[dreg:$0x5] =	wrdreg s2;
	s6 =	sadd.s32 s6, s5  }
0x11: {  	s15 =	sadd.s32 s7, s5;
	s5 =	sadd.s32 s9, s3;
	s6 =	sadd.s32 $0x11E00, s6  }
0x12: {  	s8 =	sadd.s32 $0x2800, s5;
	s9 =	sadd.s32 $0x5000, s5;
	s10 =	sadd.s32 $0x7800, s5  }
0x13: {  	s11 =	sadd.s32 $0xA000, s5;
	s12 =	sadd.s32 $0xC800, s5;
	s13 =	sadd.s32 $0xF000, s5  }
0x14: {  	v0 =	vimm.f32 $0.0e+00;
	s14 =	sadd.s32 $0x11800, s5;
	s15 =	sadd.s32 $0x1BC00, s15;
	[dreg:$0x4] =	wrdreg s6  }
.LBB2_1:
0x15: {  	s2 =	rddreg [dreg:$0x4];
	s6 =	simm.s32 $0x80;
	s7 =	simm.s32 $0x400  }
0x16: {  	[tilespmem:s4], [sflag:$0x5] =	stream.strided.gather [hbm4b:s2+s6], $0x2780, s7, s6, $0x38;
	[tilespmem:$0x1F380] =	vst v63  }
0x17: {  	_ =	swait.ge [sflag:s19], $0x2780  }
0x18: {  	[sflag:s19] =	ssyncset.done $0x0  }
0x19: {  	s20 =	simm.s32 $0x2780;
	s18 =	rddreg [dreg:$0x5];
	[sflag:s19] =	ssyncadd.s32 $0xFFFFD880  }
0x1a: {  	[tilespmem:s20], [sflag:$0x5] =	stream.linear.gather [hbm4b:s18+s4], $0x3E80, $0x38;
	[tilespmem:$0x1F380] =	vst v63  }
0x1b: {  	_ =	swait.ge [sflag:s19], $0x3E80  }
0x1c: {  	[sflag:s19] =	ssyncset.done $0x0  }
0x1d: {  	[sflag:s19] =	ssyncadd.s32 $0xFFFFC180  }
0x1e: {  	[tilespmem:s22], [sflag:$0x1] =	stream.indirect.gather [hbm4b:s1+s21], $0x80, s4, s21, $0xb8;
	[tilespmem:$0x1F380] =	vst v63  }
0x1f: {  	s17 =	simm.s32 $0x0;
	s18 =	simm.s32 $0x200  }
0x20: {  	[tilespmem:s23], [sflag:$0x2] =	stream.indirect.gather [hbm4b:s1+s21], $0x80, s21, s21, $0xb8;
	[tilespmem:$0x1F380] =	vst v63  }
.LBB2_2:
0x21: {  	p0 =	sne.s32 s18, $0x9E00;
	[tilespmem:s17+$0x8FF0] =	vst v0  }
0x22: {  	[tilespmem:s17+$0x8F80] =	vst v0  }
0x23: {  	[tilespmem:s17+$0x8F90] =	vst v0  }
.Ltmp0:
0x24: {  	[tilespmem:s17+$0x8FA0] =	vst v0;
	(pc) =	sbr.rel @p0 .LBB2_2-.Ltmp0, $4  }
0x25: {  	[tilespmem:s17+$0x8FB0] =	vst v0  }
0x26: {  	[tilespmem:s17+$0x8FC0] =	vst v0  }
0x27: {  	[tilespmem:s17+$0x8FD0] =	vst v0  }
0x28: {  	[tilespmem:s17+$0x8FE0] =	vst v0;
	s17 =	sshra.s32 s18, $0x2;
	s18 =	sadd.s32 $0x200, s18  }
0x29: {  	[tilespmem:s17+$0x8FF0] =	vst v0  }
0x2a: {  	[tilespmem:s17+$0x8F80] =	vst v0  }
0x2b: {  	[tilespmem:s17+$0x8F90] =	vst v0  }
0x2c: {  	[tilespmem:s17+$0x8FA0] =	vst v0  }
0x2d: {  	[tilespmem:s17+$0x8FB0] =	vst v0  }
0x2e: {  	[tilespmem:s17+$0x8FC0] =	vst v0  }
0x2f: {  	[tilespmem:s17+$0x8FD0] =	vst v0  }
0x30: {  	[tilespmem:s17+$0x8FE0] =	vst v0  }
0x31: {  	[spmem:s5] =	stream.linear.scatter [tilespmem:s24], [sflag:$0x5], $0x2800, $0x38;
	[tilespmem:$0x1F380] =	vst v63  }
0x32: {  	_ =	swait.ge [sflag:s19], $0x2800  }
0x33: {  	[sflag:s19] =	ssyncset.done $0x0  }
0x34: {  	[sflag:s19] =	ssyncadd.s32 $0xFFFFD800  }
0x35: {  	[spmem:s8] =	stream.linear.scatter [tilespmem:s24], [sflag:$0x5], $0x2800, $0x38;
	[tilespmem:$0x1F380] =	vst v63  }
0x36: {  	_ =	swait.ge [sflag:s19], $0x2800  }
0x37: {  	[sflag:s19] =	ssyncset.done $0x0  }
0x38: {  	[sflag:s19] =	ssyncadd.s32 $0xFFFFD800  }
0x39: {  	[spmem:s9] =	stream.linear.scatter [tilespmem:s24], [sflag:$0x5], $0x2800, $0x38;
	[tilespmem:$0x1F380] =	vst v63  }
0x3a: {  	_ =	swait.ge [sflag:s19], $0x2800  }
0x3b: {  	[sflag:s19] =	ssyncset.done $0x0  }
0x3c: {  	[sflag:s19] =	ssyncadd.s32 $0xFFFFD800  }
0x3d: {  	[spmem:s10] =	stream.linear.scatter [tilespmem:s24], [sflag:$0x5], $0x2800, $0x38;
	[tilespmem:$0x1F380] =	vst v63  }
0x3e: {  	_ =	swait.ge [sflag:s19], $0x2800  }
0x3f: {  	[sflag:s19] =	ssyncset.done $0x0  }
0x40: {  	[sflag:s19] =	ssyncadd.s32 $0xFFFFD800  }
0x41: {  	[spmem:s11] =	stream.linear.scatter [tilespmem:s24], [sflag:$0x5], $0x2800, $0x38;
	[tilespmem:$0x1F380] =	vst v63  }
0x42: {  	_ =	swait.ge [sflag:s19], $0x2800  }
0x43: {  	[sflag:s19] =	ssyncset.done $0x0  }
0x44: {  	[sflag:s19] =	ssyncadd.s32 $0xFFFFD800  }
0x45: {  	[spmem:s12] =	stream.linear.scatter [tilespmem:s24], [sflag:$0x5], $0x2800, $0x38;
	[tilespmem:$0x1F380] =	vst v63  }
0x46: {  	_ =	swait.ge [sflag:s19], $0x2800  }
0x47: {  	[sflag:s19] =	ssyncset.done $0x0  }
0x48: {  	[sflag:s19] =	ssyncadd.s32 $0xFFFFD800  }
0x49: {  	[spmem:s13] =	stream.linear.scatter [tilespmem:s24], [sflag:$0x5], $0x2800, $0x38;
	[tilespmem:$0x1F380] =	vst v63  }
0x4a: {  	_ =	swait.ge [sflag:s19], $0x2800  }
0x4b: {  	[sflag:s19] =	ssyncset.done $0x0  }
0x4c: {  	[sflag:s19] =	ssyncadd.s32 $0xFFFFD800  }
0x4d: {  	[spmem:s14] =	stream.linear.scatter [tilespmem:s24], [sflag:$0x5], $0x2400, $0x38;
	[tilespmem:$0x1F380] =	vst v63  }
0x4e: {  	_ =	swait.ge [sflag:s19], $0x2400  }
0x4f: {  	[sflag:s19] =	ssyncset.done $0x0  }
0x50: {  	[sflag:s19] =	ssyncadd.s32 $0xFFFFDC00  }
0x51: {  	s20 =	simm.s32 $0x50;
	[bflag:$0x0] =	sbarrier.arrive $0xFFFF  }
0x52: {  	[tilespmem:s24], [sflag:$0x3] =	stream.indirect.gather [hbm4b:s1+s21], $0x80, s20, s21, $0xb8;
	[tilespmem:$0x1F380] =	vst v63  }
0x53: {  	s2 =	simm.s32 $0x78  }
0x54: {  	[tilespmem:s25], [sflag:$0x4] =	stream.indirect.gather [hbm4b:s1+s21], $0x80, s2, s21, $0xb8;
	[tilespmem:$0x1F380] =	vst v63  }
0x55: {  	_ =	swait.ge [sflag:s26], $0x1400  }
0x56: {  	[sflag:s26] =	ssyncset.done $0x0  }
0x57: {  	[sflag:s26] =	ssyncadd.s32 $0xFFFFEC00  }
0x58: {  	_ =	swait.ge [sflag:s28], $0x1400  }
0x59: {  	[sflag:s28] =	ssyncset.done $0x0  }
0x5a: {  	s6 =	simm.s32 $0x2780;
	[sflag:s28] =	ssyncadd.s32 $0xFFFFEC00  }
0x5b: {  	[spmem:s3] =	stream.indirect.scatter.add.f32 [tilespmem:s22], [sflag:$0x5], $0x80, s6, s29, $0xb8;
	[tilespmem:$0x1F380] =	vst v63  }
0x5c: {  	_ =	swait.ge [sflag:s19], $0x2800  }
0x5d: {  	[sflag:s19] =	ssyncset.done $0x0  }
0x5e: {  	s7 =	simm.s32 $0xA0;
	[sflag:s19] =	ssyncadd.s32 $0xFFFFD800  }
0x5f: {  	[tilespmem:s22], [sflag:$0x1] =	stream.indirect.gather [hbm4b:s1+s21], $0x80, s7, s21, $0xb8;
	[tilespmem:$0x1F380] =	vst v63  }
0x60: {  	s18 =	simm.s32 $0xC8  }
0x61: {  	[tilespmem:s23], [sflag:$0x2] =	stream.indirect.gather [hbm4b:s1+s21], $0x80, s18, s21, $0xb8;
	[tilespmem:$0x1F380] =	vst v63  }
0x62: {  	_ =	swait.ge [sflag:s30], $0x1400  }
0x63: {  	[sflag:s30] =	ssyncset.done $0x0  }
0x64: {  	[sflag:s30] =	ssyncadd.s32 $0xFFFFEC00  }
0x65: {  	_ =	swait.ge [sflag:s31], $0x1400  }
0x66: {  	[sflag:s31] =	ssyncset.done $0x0  }
0x67: {  	s20 =	simm.s32 $0x2800;
	[sflag:s31] =	ssyncadd.s32 $0xFFFFEC00  }
0x68: {  	[spmem:s3] =	stream.indirect.scatter.add.f32 [tilespmem:s24], [sflag:$0x5], $0x80, s20, s29, $0xb8;
	[tilespmem:$0x1F380] =	vst v63  }
0x69: {  	s17 =	simm.s32 $0x2880;
	_ =	swait.ge [sflag:s19], $0x2800  }
0x6a: {  	s18 =	simm.s32 $0xA0;
	s20 =	simm.s32 $0x500;
	[sflag:s19] =	ssyncset.done $0x0  }
.LBB2_4:
0x6b: {  	s2 =	sadd.s32 $0x50, s18  }
0x6c: {  	[sflag:s19] =	ssyncadd.s32 $0xFFFFD800;
	s6 =	smov.u32 s20;
	s7 =	sadd.s32 $0x280, s20  }
0x6d: {  	[tilespmem:s24], [sflag:$0x3] =	stream.indirect.gather [hbm4b:s1+s21], $0x80, s2, s21, $0xb8;
	[tilespmem:$0x1F380] =	vst v63  }
0x6e: {  	p0 =	sne.s32 s20, $0x9880;
	s2 =	sadd.s32 $0x78, s18  }
0x6f: {  	[tilespmem:s25], [sflag:$0x4] =	stream.indirect.gather [hbm4b:s1+s21], $0x80, s2, s21, $0xb8;
	[tilespmem:$0x1F380] =	vst v63  }
0x70: {  	_ =	swait.ge [sflag:s26], $0x1400  }
0x71: {  	[sflag:s26] =	ssyncset.done $0x0  }
0x72: {  	[sflag:s26] =	ssyncadd.s32 $0xFFFFEC00  }
0x73: {  	_ =	swait.ge [sflag:s28], $0x1400  }
0x74: {  	[sflag:s28] =	ssyncset.done $0x0  }
0x75: {  	[sflag:s28] =	ssyncadd.s32 $0xFFFFEC00  }
0x76: {  	[spmem:s3] =	stream.indirect.scatter.add.f32 [tilespmem:s22], [sflag:$0x5], $0x80, s17, s29, $0xb8;
	[tilespmem:$0x1F380] =	vst v63  }
0x77: {  	_ =	swait.ge [sflag:s19], $0x2800  }
0x78: {  	[sflag:s19] =	ssyncset.done $0x0  }
0x79: {  	s2 =	sadd.s32 $0xA0, s18;
	[sflag:s19] =	ssyncadd.s32 $0xFFFFD800  }
0x7a: {  	[tilespmem:s22], [sflag:$0x1] =	stream.indirect.gather [hbm4b:s1+s21], $0x80, s2, s21, $0xb8;
	[tilespmem:$0x1F380] =	vst v63  }
0x7b: {  	s2 =	sadd.s32 $0xC8, s18  }
0x7c: {  	[tilespmem:s23], [sflag:$0x2] =	stream.indirect.gather [hbm4b:s1+s21], $0x80, s2, s21, $0xb8;
	[tilespmem:$0x1F380] =	vst v63  }
0x7d: {  	_ =	swait.ge [sflag:s30], $0x1400  }
0x7e: {  	[sflag:s30] =	ssyncset.done $0x0  }
0x7f: {  	[sflag:s30] =	ssyncadd.s32 $0xFFFFEC00  }
0x80: {  	_ =	swait.ge [sflag:s31], $0x1400  }
.Ltmp1:
0x81: {  	[sflag:s31] =	ssyncset.done $0x0;
	(pc) =	sbr.rel @p0 .LBB2_4-.Ltmp1, $4  }
0x82: {  	s2 =	sadd.s32 $0x80, s17;
	[sflag:s31] =	ssyncadd.s32 $0xFFFFEC00  }
0x83: {  	[spmem:s3] =	stream.indirect.scatter.add.f32 [tilespmem:s24], [sflag:$0x5], $0x80, s2, s29, $0xb8;
	[tilespmem:$0x1F380] =	vst v63  }
0x84: {  	s20 =	smov.u32 s7;
	_ =	swait.ge [sflag:s19], $0x2800  }
0x85: {  	s18 =	sshra.s32 s6, $0x2;
	s17 =	sadd.s32 $0x100, s17;
	[sflag:s19] =	ssyncset.done $0x0  }
0x86: {  	s2 =	sadd.s32 $0x50, s18;
	[sflag:s19] =	ssyncadd.s32 $0xFFFFD800  }
0x87: {  	[tilespmem:s24], [sflag:$0x3] =	stream.indirect.gather [hbm4b:s1+s21], $0x80, s2, s21, $0xb8;
	[tilespmem:$0x1F380] =	vst v63  }
0x88: {  	s20 =	sadd.s32 $0x78, s18  }
0x89: {  	[tilespmem:s25], [sflag:$0x4] =	stream.indirect.gather [hbm4b:s1+s21], $0x80, s20, s21, $0xb8;
	[tilespmem:$0x1F380] =	vst v63  }
0x8a: {  	_ =	swait.ge [sflag:s26], $0x1400  }
0x8b: {  	[sflag:s26] =	ssyncset.done $0x0  }
0x8c: {  	[sflag:s26] =	ssyncadd.s32 $0xFFFFEC00  }
0x8d: {  	_ =	swait.ge [sflag:s28], $0x1400  }
0x8e: {  	[sflag:s28] =	ssyncset.done $0x0  }
0x8f: {  	[sflag:s28] =	ssyncadd.s32 $0xFFFFEC00  }
0x90: {  	[spmem:s3] =	stream.indirect.scatter.add.f32 [tilespmem:s22], [sflag:$0x5], $0x80, s17, s29, $0xb8;
	[tilespmem:$0x1F380] =	vst v63  }
0x91: {  	_ =	swait.ge [sflag:s19], $0x2800  }
0x92: {  	[sflag:s19] =	ssyncset.done $0x0  }
0x93: {  	s6 =	sadd.s32 $0xA0, s18;
	[sflag:s19] =	ssyncadd.s32 $0xFFFFD800  }
0x94: {  	[tilespmem:s22], [sflag:$0x1] =	stream.indirect.gather [hbm4b:s1+s21], $0x80, s6, s21, $0xb8;
	[tilespmem:$0x1F380] =	vst v63  }
0x95: {  	s7 =	sadd.s32 $0xC8, s18  }
0x96: {  	[tilespmem:s23], [sflag:$0x2] =	stream.indirect.gather [hbm4b:s1+s21], $0x80, s7, s21, $0xb8;
	[tilespmem:$0x1F380] =	vst v63  }
0x97: {  	_ =	swait.ge [sflag:s30], $0x1400  }
0x98: {  	[sflag:s30] =	ssyncset.done $0x0  }
0x99: {  	[sflag:s30] =	ssyncadd.s32 $0xFFFFEC00  }
0x9a: {  	_ =	swait.ge [sflag:s31], $0x1400  }
0x9b: {  	[sflag:s31] =	ssyncset.done $0x0  }
0x9c: {  	s17 =	sadd.s32 $0x80, s17;
	[sflag:s31] =	ssyncadd.s32 $0xFFFFEC00  }
0x9d: {  	[spmem:s3] =	stream.indirect.scatter.add.f32 [tilespmem:s24], [sflag:$0x5], $0x80, s17, s29, $0xb8;
	[tilespmem:$0x1F380] =	vst v63  }
0x9e: {  	_ =	swait.ge [sflag:s19], $0x2800  }
0x9f: {  	[sflag:s19] =	ssyncset.done $0x0  }
0xa0: {  	[sflag:s19] =	ssyncadd.s32 $0xFFFFD800  }
0xa1: {  	_ =	swait.ge [sflag:s26], $0x1400  }
0xa2: {  	[sflag:s26] =	ssyncset.done $0x0  }
0xa3: {  	[sflag:s26] =	ssyncadd.s32 $0xFFFFEC00  }
0xa4: {  	_ =	swait.ge [sflag:s28], $0x1400  }
0xa5: {  	[sflag:s28] =	ssyncset.done $0x0  }
0xa6: {  	s18 =	simm.s32 $0x6580;
	[sflag:s28] =	ssyncadd.s32 $0xFFFFEC00  }
0xa7: {  	[spmem:s3] =	stream.indirect.scatter.add.f32 [tilespmem:s22], [sflag:$0x5], $0x80, s18, s29, $0xb8;
	[tilespmem:$0x1F380] =	vst v63  }
0xa8: {  	s20 =	stileid.u32;
	_ =	swait.ge [sflag:s19], $0x2800  }
0xa9: {  	s0 =	sadd.s32 $0x1, s0;
	s2 =	sshll.u32 s20, $0x6;
	[sflag:s19] =	ssyncset.done $0x0  }
0xaa: {  	p0 =	sne.s32 s0, s16;
	s2 =	sor.u32 $0x1C05, s2;
	[sflag:s19] =	ssyncadd.s32 $0xFFFFD800  }
.Ltmp2:
0xab: {  	s6 =	sshrl.u32 s5, $0x3;
	[bflag:$0x0] =	sbarrier.arrive $0xFFFF;
	(pc) =	sbr.rel @p0 .LBB2_1-.Ltmp2, $4  }
0xac: {  	[hbm:s15], [sflag:s2] =	dma.local [spmem:s6], $0x2780  }
0xad: {  	_ =	swait.ge [sflag:s19], $0x2780  }
0xae: {  	[sflag:s19] =	ssyncset.done $0x0  }
0xaf: {  	[sflag:s19] =	ssyncadd.s32 $0xFFFFD880  }
0xb0: {  	_ =	sfence.sel $0x180000  }
0xb1: {  	[bflag:$0x0] =	sbarrier.arrive $0xFFFF  }
0xb2: {  	_ =	strace $0x9000004A  }
0xb3: {  	s0 =	stileid.u32;
	[bflag:$0x2] =	sbarrier.arrive $0xFFFF  }
0xb4: {  	p0 =	sne.s32 s0, $0x0;
	s0 =	rddreg [dreg:$0x3]  }
0xb5: {  	s0 =	sadd.s32 @!p0 $0x100000, s0  }
0xb6: {  	[sflag:s0] =	ssyncadd.tile.s32 @!p0 $0x1;
	_ =	shalt  }
.Lfunc_end2:
_tile_overlayer_lowered:
.L_overlay_start_2:
0xb7: {  	(tag) =	ssettag $0x2  }
0xb8: {  	s0 =	rddreg [dreg:$0x0];
	s2 =	stileid.u32  }
0xb9: {  	s1 =	rddreg [dreg:$0x1];
	p0 =	sne.s32 s2, $0x0  }
0xba: {  	s3 =	rddreg [dreg:$0x2];
	[bflag:$0x3] =	sbarrier.arrive $0xFFFF;
	s2 =	simm.s32 @!p0 $0x1C05  }
0xbb: {  	[timem:s3], [sflag:s2] =	dma.local @!p0 [hbm:s0], s1  }
0xbc: {  	s0 =	simm.s32 @!p0 $0x5  }
0xbd: {  	_ =	swait.ge @!p0 [sflag:s0], s1  }
0xbe: {  	s1 =	ssub.s32 @!p0 $0x0, s1;
	[sflag:s0] =	ssyncset.done @!p0 $0x0  }
0xbf: {  	[sflag:s0] =	ssyncadd.s32 @!p0 s1  }
0xc0: {  	[bflag:$0x3] =	sbarrier.arrive $0xFFFF  }
0xc1: {  	_ =	shalt  }

// kernel: kernel.14.cloned.1.call-start
scs
__scs_entry_jumppad:
0x0: {  	(pc) =	sbr.rel $0x88, $3  }
0x1: {  	(tag) =	ssettag $0x0;
	lr =	simm.s32 $0x1  }
0x2: {  	[smem:$0x3F9B] =	sst lr;
	_ =	strace $0xD0000000  }
0x3: {  	_ = 	snop  }
0x4: {  	_ = 	snop  }
0x5: {  	_ = 	snop  }
0x6: {  	_ = 	snop  }
0x7: {  	_ = 	snop  }
__scs_overlays_trampoline_lowered:
0x8: {  	[smem:$0x3FAA] =	sst s0  }
0x9: {  	[smem:$0x3FAB] =	sst s1  }
0xa: {  	[smem:$0x3FAC] =	sst s2  }
0xb: {  	[smem:$0x3FAD] =	sst s3  }
0xc: {  	[smem:$0x3FAE] =	sst s4  }
0xd: {  	[smem:$0x3FAF] =	sst s5  }
0xe: {  	[smem:$0x3FB0] =	sst s6  }
0xf: {  	[smem:$0x3FB1] =	sst s7  }
0x10: {  	[smem:$0x3FB2] =	sst s8  }
0x11: {  	[smem:$0x3FB3] =	sst s9;
	s0 =	simm.s32 @!p0 $0x0  }
0x12: {  	s1 =	sld [smem:$0x3F99];
	s0 =	simm.s32 @p0 $0x1  }
0x13: {  	[smem:$0x3FB4] =	sst s0;
	s0 =	simm.s32 @!p1 $0x0  }
0x14: {  	s2 =	sld [smem:$0x3F98];
	s0 =	simm.s32 @p1 $0x1  }
0x15: {  	[smem:$0x3FB5] =	sst s0;
	s0 =	simm.s32 @!p2 $0x0  }
0x16: {  	s3 =	sld [smem:$0x3FDB];
	s0 =	simm.s32 @p2 $0x1  }
0x17: {  	s4 =	simm.s32 $0x1BF5;
	[smem:$0x3FB7] =	sst s0  }
0x18: {  	s0 =	sld [smem:$0x3F9A];
	_ =	swait.ge [sflag:s4], $0x0  }
0x19: {  	s7 =	sld [smem:$0x3F9B]  }
0x1a: {  	s8 =	sadd.s32 $0xFFFFE003, lr  }
0x1b: {  	s9 =	sadd.s32 $0xFFFFFEF7, lr;
	s5 =	simm.s32 $0xFFFFFFFF;
	p2 =	slt.u32 s8, $0xFFFFF086  }
0x1c: {  	p1 =	slt.u32 s9, $0xF7A;
	s5 =	simm.s32 @!p2 $0x0  }
0x1d: {  	s5 =	simm.s32 @p1 $0x1;
	p0 =	seq.s32 s7, s2  }
0x1e: {  	s7 =	smul.u32 @!p0 $0xF7A, s2;
	p2 =	seq.s32 @!p0 s5, $0x0  }
0x1f: {  	s9 =	smul.u32 $0xF7A, s1;
	s8 =	simm.s32 @!p0 $0x1BF5;
	p2 =	por !p2, p0  }
0x20: {  	[sflag:s8] =	ssyncset.s32 @!p0 $0xFFFFF086;
	s6 =	sadd.s32 @!p0 s3, s7;
	s7 =	simm.s32 @!p0 $0x108  }
0x21: {  	s3 =	sadd.s32 s3, s9;
	s6 =	sadd.s32 @!p0 $0x88, s6;
	s7 =	simm.s32 @p2 $0x1082  }
0x22: {  	[simem:s7], [sflag:s8] =	dma.local @!p0 [hbm:s6], $0xF7A  }
0x23: {  	s9 =	sor.u32 $0xD0000000, s2;
	s6 =	simm.s32 $0x108;
	_ =	swait.ge @!p0 [sflag:s8], $0x0  }
0x24: {  	s3 =	sadd.s32 $0x88, s3;
	s6 =	simm.s32 @!p1 $0x1082;
	[sflag:s4] =	ssyncset.s32 $0xFFFFF086  }
0x25: {  	[simem:s6], [sflag:s4] =	dma.local [hbm:s3], $0xF7A  }
0x26: {  	[smem:$0x3F9B] =	sst s1;
	(tag) =	ssettag s2;
	_ =	strace s9  }
0x27: {  	s1 =	sld [smem:$0x3FAB]  }
0x28: {  	s2 =	sld [smem:$0x3FAC]  }
0x29: {  	s4 =	sld [smem:$0x3FAE]  }
0x2a: {  	p0 =	seq.s32 s5, $0x0;
	s5 =	sld [smem:$0x3FAF]  }
0x2b: {  	s6 =	sld [smem:$0x3FB0]  }
0x2c: {  	s7 =	sld [smem:$0x3FB1]  }
0x2d: {  	s3 =	simm.s32 $0x108;
	s8 =	sld [smem:$0x3FB2]  }
0x2e: {  	s3 =	simm.s32 @!p0 $0x1082;
	s9 =	sld [smem:$0x3FB3]  }
0x2f: {  	lr =	sadd.s32 s0, s3;
	s0 =	sld [smem:$0x3FAA]  }
0x30: {  	s3 =	sld [smem:$0x3FAD]  }
0x31: {  	[smem:$0x3FB6] =	sst s10  }
0x32: {  	s10 =	sld [smem:$0x3FB4];
	_ =	sdelay $0x3  }
0x33: {  	p0 =	seq.s32 s10, $0x1;
	s10 =	sld [smem:$0x3FB6];
	_ =	sdelay $0x3  }
0x34: {  	[smem:$0x3FB6] =	sst s10  }
0x35: {  	s10 =	sld [smem:$0x3FB5];
	_ =	sdelay $0x3  }
0x36: {  	p1 =	seq.s32 s10, $0x1;
	s10 =	sld [smem:$0x3FB6];
	_ =	sdelay $0x3  }
0x37: {  	[smem:$0x3FB6] =	sst s10  }
0x38: {  	s10 =	sld [smem:$0x3FB7]  }
0x39: {  	_ = 	snop;
	(pc) =	sbr.ind lr, $3  }
0x3a: {  	_ = 	snop  }
0x3b: {  	_ = 	snop  }
0x3c: {  	p2 =	seq.s32 s10, $0x1;
	s10 =	sld [smem:$0x3FB6]  }
0x3d: {  	_ =	shalt  }
0x3e: {  	_ =	shalt  }
0x3f: {  	_ =	shalt  }
0x40: {  	_ =	shalt  }
0x41: {  	_ =	shalt  }
0x42: {  	_ =	shalt  }
0x43: {  	_ =	shalt  }
0x44: {  	_ =	shalt  }
0x45: {  	_ =	shalt  }
0x46: {  	_ =	shalt  }
0x47: {  	_ =	shalt  }
0x48: {  	_ =	shalt  }
0x49: {  	_ =	shalt  }
0x4a: {  	_ =	shalt  }
0x4b: {  	_ =	shalt  }
0x4c: {  	_ =	shalt  }
0x4d: {  	_ =	shalt  }
0x4e: {  	_ =	shalt  }
0x4f: {  	_ =	shalt  }
0x50: {  	_ =	shalt  }
0x51: {  	_ =	shalt  }
0x52: {  	_ =	shalt  }
0x53: {  	_ =	shalt  }
0x54: {  	_ =	shalt  }
0x55: {  	_ =	shalt  }
0x56: {  	_ =	shalt  }
0x57: {  	_ =	shalt  }
0x58: {  	_ =	shalt  }
0x59: {  	_ =	shalt  }
0x5a: {  	_ =	shalt  }
0x5b: {  	_ =	shalt  }
0x5c: {  	_ =	shalt  }
0x5d: {  	_ =	shalt  }
0x5e: {  	_ =	shalt  }
0x5f: {  	_ =	shalt  }
0x60: {  	_ =	shalt  }
0x61: {  	_ =	shalt  }
0x62: {  	_ =	shalt  }
0x63: {  	_ =	shalt  }
0x64: {  	_ =	shalt  }
0x65: {  	_ =	shalt  }
0x66: {  	_ =	shalt  }
0x67: {  	_ =	shalt  }
0x68: {  	_ =	shalt  }
0x69: {  	_ =	shalt  }
0x6a: {  	_ =	shalt  }
0x6b: {  	_ =	shalt  }
0x6c: {  	_ =	shalt  }
0x6d: {  	_ =	shalt  }
0x6e: {  	_ =	shalt  }
0x6f: {  	_ =	shalt  }
0x70: {  	_ =	shalt  }
0x71: {  	_ =	shalt  }
0x72: {  	_ =	shalt  }
0x73: {  	_ =	shalt  }
0x74: {  	_ =	shalt  }
0x75: {  	_ =	shalt  }
0x76: {  	_ =	shalt  }
0x77: {  	_ =	shalt  }
0x78: {  	_ =	shalt  }
0x79: {  	_ =	shalt  }
0x7a: {  	_ =	shalt  }
0x7b: {  	_ =	shalt  }
0x7c: {  	_ =	shalt  }
0x7d: {  	_ =	shalt  }
0x7e: {  	_ =	shalt  }
0x7f: {  	_ =	shalt  }
0x80: {  	_ =	shalt  }
0x81: {  	_ =	shalt  }
0x82: {  	_ =	shalt  }
0x83: {  	_ =	shalt  }
0x84: {  	_ =	shalt  }
0x85: {  	_ =	shalt  }
0x86: {  	_ =	shalt  }
0x87: {  	_ =	shalt  }
.Lfunc_end0:
.L_simem_size_0:
called_computation.2_lowered:
.L_overlay_start_0:
0x88: {  	s2 =	sld [smem:$0x3FD9]  }
0x89: {  	s3 =	sld [smem:$0x3FFE];
	_ =	sdelay $0x1  }
0x8a: {  	s1 =	srdreg.scid  }
0x8b: {  	s0 =	sand.u32 $0x1, s1  }
0x8c: {  	s17 =	sshll.u32 s0, $0xA;
	s2 =	sadd.s32 s3, s2  }
0x8d: {  	s2 =	sadd.s32 s2, s17  }
0x8e: {  	[smem:$0x3FC2] =	sst s2  }
0x8f: {  	_ = 	snop  }
0x90: {  	s2 =	sld [smem:$0x3FD0];
	(tm) =	ssettm $0x1  }
0x91: {  	s18 =	sld [smem:$0x3FFB];
	_ =	sdelay $0x3  }
0x92: {  	_ =	strace s18  }
0x93: {  	s3 =	sld [smem:$0x3FFC];
	_ =	sdelay $0x3  }
0x94: {  	_ =	strace s3  }
0x95: {  	s3 =	sld [smem:$0x3FFD];
	_ =	sdelay $0x3  }
0x96: {  	_ =	strace s3  }
0x97: {  	_ =	strace $0x8FFFFFFF  }
0x98: {  	s19 =	sld [smem:$0x3FDB];
	_ =	sdelay $0x1  }
0x99: {  	s4 =	simm.s32 $_scs_section_size  }
0x9a: {  	s5 =	simm.s32 $_size__tile_overlayer_lowered;
	s6 =	simm.s32 $_tile_overlayer_lowered  }
0x9b: {  	s22 =	simm.s32 $0x1BFF;
	s21 =	sshll.u32 s6, $0x1;
	s3 =	sadd.s32 s4, s19  }
0x9c: {  	s7 =	simm.s32 $0x0;
	s20 =	sshll.u32 s5, $0x1;
	s5 =	sadd.s32 s21, s3  }
0x9d: {  	[timem:s7], [sflag:s22] =	dma.local [hbm:s5], s20  }
0x9e: {  	_ =	swait.ge [sflag:s22], s20  }
0x9f: {  	s4 =	ssub.s32 $0x0, s20;
	[sflag:s22] =	ssyncset.done $0x0  }
0xa0: {  	[sflag:s22] =	ssyncadd.s32 s4;
	_ =	sdelay $0x1  }
0xa1: {  	s23 =	simm.s32 $0x1B8B  }
0xa2: {  	_ =	swait.ge [sflag:s23], $0x1  }
0xa3: {  	[sflag:s23] =	ssyncset.done $0x0  }
0xa4: {  	s25 =	simm.s32 $0x1B8E;
	s24 =	sld [smem:$0x3FFE];
	[sflag:s23] =	ssyncadd.s32 $0xFFFFFFFF  }
0xa5: {  	s26 =	simm.s32 $execute0_lowered;
	[smem:$0x3FD2] =	sst s25  }
0xa6: {  	s5 =	sshll.u32 s26, $0x1;
	_ =	strace $0x8000004C;
	[dreg:$0x1] =	wrdreg $0xFFFFFFFF  }
0xa7: {  	s28 =	simm.s32 $_size_execute0_lowered;
	s3 =	sadd.s32 s3, s5;
	[dreg:$0x0] =	wrdreg $0x0  }
0xa8: {  	s5 =	sshll.u32 s28, $0x1;
	[dreg:$0x2] =	wrdreg s3  }
0xa9: {  	[dreg:$0x3] =	wrdreg s5  }
0xaa: {  	[dreg:$0x4] =	wrdreg $0xC0  }
0xab: {  	_ =	task [dreg:s7], $0x5FFFF  }
0xac: {  	[dreg:$0x1] =	wrdreg $0xFFFFFFFF  }
0xad: {  	[dreg:$0x0] =	wrdreg $0x60  }
0xae: {  	[dreg:$0x2] =	wrdreg s2  }
0xaf: {  	[dreg:$0x3] =	wrdreg s24  }
0xb0: {  	[dreg:$0x4] =	wrdreg $0xB7800  }
0xb1: {  	[dreg:$0x5] =	wrdreg $0x9  }
0xb2: {  	_ =	task.clear_ibuf [dreg:s7], $0x6FFFF;
	_ =	strace $0x9000004C  }
0xb3: {  	s29 =	simm.s32 $0x9;
	_ =	strace $0x8000004E  }
0xb4: {  	_ =	swait.ge [sflag:s29], $0x1  }
0xb5: {  	[sflag:s29] =	ssyncadd.s32 $0xFFFFFFFF  }
0xb6: {  	_ =	strace $0x9000004E  }
0xb7: {  	_ =	sfence  }
0xb8: {  	s30 =	sld [smem:$0x0];
	_ =	sdelay $0x2  }
0xb9: {  	s31 =	sshll.u32 s1, $0xD;
	s1 =	sshrl.u32 s1, $0x2  }
0xba: {  	s3 =	sand.u32 $0x4000, s31;
	s1 =	sadd.s32 s1, s30  }
0xbb: {  	s0 =	sor.u32 s3, s0;
	s1 =	sshll.u32 s1, $0x11  }
0xbc: {  	s0 =	sor.u32 s1, s0  }
0xbd: {  	s0 =	sadd.s32 $0x8F2B, s0  }
0xbe: {  	[sflag:s0] =	ssyncadd.remote.s32 $0x1  }
0xbf: {  	_ =	sfence.sel $0xFFFF  }
0xc0: {  	[dreg:$0x0] =	wrdreg $0xFFFFFFFF;
	(pc) =	sbr.abs _section_cstart, $3  }
0xc1: {  	[dreg:$0x1] =	wrdreg $0xFFFFFFFF  }
0xc2: {  	_ =	task.clear_ibuf [dreg:s7], $0x2FFFF;
	_ =	strace $0x9FFFFFFF  }
0xc3: {  	(tm) =	ssettm $0x7FFFFFFF  }
tec
execute0_lowered:
.L_overlay_start_1:
0x0: {  	(tag) =	ssettag $0x1  }
0x1: {  	s1 =	rddreg [dreg:$0x0]  }
0x2: {  	s0 =	srdreg.scid;
	s5 =	rddreg [dreg:$0x1]  }
0x3: {  	s9 =	stileid.u32;
	s3 =	rddreg [dreg:$0x2]  }
0x4: {  	s19 =	simm.s32 $0x5;
	s21 =	simm.s32 $0x28;
	s22 =	simm.s32 $0x6780  }
0x5: {  	s23 =	simm.s32 $0x7B80;
	s24 =	simm.s32 $0x8F80;
	s28 =	simm.s32 $0x2  }
0x6: {  	s29 =	simm.s32 $0x50;
	s30 =	simm.s32 $0x3;
	s8 =	smul.u32 $0x13C00, s9  }
0x7: {  	s2 =	sshll.u32 s9, $0x1;
	s4 =	sshrl.u32 s9, $0x2;
	s9 =	smul.u32 $0x4F000, s9  }
0x8: {  	s31 =	simm.s32 $0x4;
	s0 =	sand.u32 $0x1, s0;
	s6 =	smul.u32 $0x13C00, s4  }
0x9: {  	s2 =	sor.u32 s0, s2;
	s4 =	simm.s32 $0x0;
	s25 =	smul.u32 $0x13C000, s0  }
0xa: {  	s0 =	ssub.s32 $0x2, s0;
	s7 =	sshll.u32 s2, $0x7;
	[smem:$0x7FF] =	sst s4  }
0xb: {  	s2 =	sshll.u32 s2, $0xB;
	s26 =	sshrl.u32 s0, $0x1;
	s9 =	sshrl.u32 s9, $0x2  }
0xc: {  	s7 =	sand.u32 $0x380, s7;
	_ =	strace $0x8000004D;
	s2 =	sadd.s32 s2, s5  }
0xd: {  	s0 =	ssub.s32 s0, s26;
	s26 =	simm.s32 $0x1;
	s6 =	sor.u32 s6, s7  }
0xe: {  	s7 =	sadd.s32 s8, s25;
	s2 =	sadd.s32 $0x1E00, s2;
	s16 =	smax.u32 s0, $0x1  }
0xf: {  	s25 =	simm.s32 $0xA380;
	s0 =	simm.s32 $0x0;
	s6 =	sshrl.u32 s6, $0x3  }
0x10: {  	s7 =	sshrl.u32 s7, $0x3;
	[dreg:$0x5] =	wrdreg s2;
	s6 =	sadd.s32 s6, s5  }
0x11: {  	s15 =	sadd.s32 s7, s5;
	s5 =	sadd.s32 s9, s3;
	s6 =	sadd.s32 $0x11E00, s6  }
0x12: {  	s8 =	sadd.s32 $0x2800, s5;
	s9 =	sadd.s32 $0x5000, s5;
	s10 =	sadd.s32 $0x7800, s5  }
0x13: {  	s11 =	sadd.s32 $0xA000, s5;
	s12 =	sadd.s32 $0xC800, s5;
	s13 =	sadd.s32 $0xF000, s5  }
0x14: {  	v0 =	vimm.f32 $0.0e+00;
	s14 =	sadd.s32 $0x11800, s5;
	s15 =	sadd.s32 $0x1BC00, s15;
	[dreg:$0x4] =	wrdreg s6  }
.LBB2_1:
0x15: {  	s2 =	rddreg [dreg:$0x4];
	s6 =	simm.s32 $0x80;
	s7 =	simm.s32 $0x400  }
0x16: {  	[tilespmem:s4], [sflag:$0x5] =	stream.strided.gather [hbm4b:s2+s6], $0x2780, s7, s6, $0x38;
	[tilespmem:$0x1F380] =	vst v63  }
0x17: {  	_ =	swait.ge [sflag:s19], $0x2780  }
0x18: {  	[sflag:s19] =	ssyncset.done $0x0  }
0x19: {  	s20 =	simm.s32 $0x2780;
	s18 =	rddreg [dreg:$0x5];
	[sflag:s19] =	ssyncadd.s32 $0xFFFFD880  }
0x1a: {  	[tilespmem:s20], [sflag:$0x5] =	stream.linear.gather [hbm4b:s18+s4], $0x3E80, $0x38;
	[tilespmem:$0x1F380] =	vst v63  }
0x1b: {  	_ =	swait.ge [sflag:s19], $0x3E80  }
0x1c: {  	[sflag:s19] =	ssyncset.done $0x0  }
0x1d: {  	[sflag:s19] =	ssyncadd.s32 $0xFFFFC180  }
0x1e: {  	[tilespmem:s22], [sflag:$0x1] =	stream.indirect.gather [hbm4b:s1+s21], $0x80, s4, s21, $0xb8;
	[tilespmem:$0x1F380] =	vst v63  }
0x1f: {  	s17 =	simm.s32 $0x0;
	s18 =	simm.s32 $0x200  }
0x20: {  	[tilespmem:s23], [sflag:$0x2] =	stream.indirect.gather [hbm4b:s1+s21], $0x80, s21, s21, $0xb8;
	[tilespmem:$0x1F380] =	vst v63  }
.LBB2_2:
0x21: {  	p0 =	sne.s32 s18, $0x9E00;
	[tilespmem:s17+$0x8FF0] =	vst v0  }
0x22: {  	[tilespmem:s17+$0x8F80] =	vst v0  }
0x23: {  	[tilespmem:s17+$0x8F90] =	vst v0  }
.Ltmp0:
0x24: {  	[tilespmem:s17+$0x8FA0] =	vst v0;
	(pc) =	sbr.rel @p0 .LBB2_2-.Ltmp0, $4  }
0x25: {  	[tilespmem:s17+$0x8FB0] =	vst v0  }
0x26: {  	[tilespmem:s17+$0x8FC0] =	vst v0  }
0x27: {  	[tilespmem:s17+$0x8FD0] =	vst v0  }
0x28: {  	[tilespmem:s17+$0x8FE0] =	vst v0;
	s17 =	sshra.s32 s18, $0x2;
	s18 =	sadd.s32 $0x200, s18  }
0x29: {  	[tilespmem:s17+$0x8FF0] =	vst v0  }
0x2a: {  	[tilespmem:s17+$0x8F80] =	vst v0  }
0x2b: {  	[tilespmem:s17+$0x8F90] =	vst v0  }
0x2c: {  	[tilespmem:s17+$0x8FA0] =	vst v0  }
0x2d: {  	[tilespmem:s17+$0x8FB0] =	vst v0  }
0x2e: {  	[tilespmem:s17+$0x8FC0] =	vst v0  }
0x2f: {  	[tilespmem:s17+$0x8FD0] =	vst v0  }
0x30: {  	[tilespmem:s17+$0x8FE0] =	vst v0  }
0x31: {  	[spmem:s5] =	stream.linear.scatter [tilespmem:s24], [sflag:$0x5], $0x2800, $0x38;
	[tilespmem:$0x1F380] =	vst v63  }
0x32: {  	_ =	swait.ge [sflag:s19], $0x2800  }
0x33: {  	[sflag:s19] =	ssyncset.done $0x0  }
0x34: {  	[sflag:s19] =	ssyncadd.s32 $0xFFFFD800  }
0x35: {  	[spmem:s8] =	stream.linear.scatter [tilespmem:s24], [sflag:$0x5], $0x2800, $0x38;
	[tilespmem:$0x1F380] =	vst v63  }
0x36: {  	_ =	swait.ge [sflag:s19], $0x2800  }
0x37: {  	[sflag:s19] =	ssyncset.done $0x0  }
0x38: {  	[sflag:s19] =	ssyncadd.s32 $0xFFFFD800  }
0x39: {  	[spmem:s9] =	stream.linear.scatter [tilespmem:s24], [sflag:$0x5], $0x2800, $0x38;
	[tilespmem:$0x1F380] =	vst v63  }
0x3a: {  	_ =	swait.ge [sflag:s19], $0x2800  }
0x3b: {  	[sflag:s19] =	ssyncset.done $0x0  }
0x3c: {  	[sflag:s19] =	ssyncadd.s32 $0xFFFFD800  }
0x3d: {  	[spmem:s10] =	stream.linear.scatter [tilespmem:s24], [sflag:$0x5], $0x2800, $0x38;
	[tilespmem:$0x1F380] =	vst v63  }
0x3e: {  	_ =	swait.ge [sflag:s19], $0x2800  }
0x3f: {  	[sflag:s19] =	ssyncset.done $0x0  }
0x40: {  	[sflag:s19] =	ssyncadd.s32 $0xFFFFD800  }
0x41: {  	[spmem:s11] =	stream.linear.scatter [tilespmem:s24], [sflag:$0x5], $0x2800, $0x38;
	[tilespmem:$0x1F380] =	vst v63  }
0x42: {  	_ =	swait.ge [sflag:s19], $0x2800  }
0x43: {  	[sflag:s19] =	ssyncset.done $0x0  }
0x44: {  	[sflag:s19] =	ssyncadd.s32 $0xFFFFD800  }
0x45: {  	[spmem:s12] =	stream.linear.scatter [tilespmem:s24], [sflag:$0x5], $0x2800, $0x38;
	[tilespmem:$0x1F380] =	vst v63  }
0x46: {  	_ =	swait.ge [sflag:s19], $0x2800  }
0x47: {  	[sflag:s19] =	ssyncset.done $0x0  }
0x48: {  	[sflag:s19] =	ssyncadd.s32 $0xFFFFD800  }
0x49: {  	[spmem:s13] =	stream.linear.scatter [tilespmem:s24], [sflag:$0x5], $0x2800, $0x38;
	[tilespmem:$0x1F380] =	vst v63  }
0x4a: {  	_ =	swait.ge [sflag:s19], $0x2800  }
0x4b: {  	[sflag:s19] =	ssyncset.done $0x0  }
0x4c: {  	[sflag:s19] =	ssyncadd.s32 $0xFFFFD800  }
0x4d: {  	[spmem:s14] =	stream.linear.scatter [tilespmem:s24], [sflag:$0x5], $0x2400, $0x38;
	[tilespmem:$0x1F380] =	vst v63  }
0x4e: {  	_ =	swait.ge [sflag:s19], $0x2400  }
0x4f: {  	[sflag:s19] =	ssyncset.done $0x0  }
0x50: {  	[sflag:s19] =	ssyncadd.s32 $0xFFFFDC00  }
0x51: {  	s20 =	simm.s32 $0x50;
	[bflag:$0x0] =	sbarrier.arrive $0xFFFF  }
0x52: {  	[tilespmem:s24], [sflag:$0x3] =	stream.indirect.gather [hbm4b:s1+s21], $0x80, s20, s21, $0xb8;
	[tilespmem:$0x1F380] =	vst v63  }
0x53: {  	s2 =	simm.s32 $0x78  }
0x54: {  	[tilespmem:s25], [sflag:$0x4] =	stream.indirect.gather [hbm4b:s1+s21], $0x80, s2, s21, $0xb8;
	[tilespmem:$0x1F380] =	vst v63  }
0x55: {  	_ =	swait.ge [sflag:s26], $0x1400  }
0x56: {  	[sflag:s26] =	ssyncset.done $0x0  }
0x57: {  	[sflag:s26] =	ssyncadd.s32 $0xFFFFEC00  }
0x58: {  	_ =	swait.ge [sflag:s28], $0x1400  }
0x59: {  	[sflag:s28] =	ssyncset.done $0x0  }
0x5a: {  	s6 =	simm.s32 $0x2780;
	[sflag:s28] =	ssyncadd.s32 $0xFFFFEC00  }
0x5b: {  	[spmem:s3] =	stream.indirect.scatter.add.f32 [tilespmem:s22], [sflag:$0x5], $0x80, s6, s29, $0xb8;
	[tilespmem:$0x1F380] =	vst v63  }
0x5c: {  	_ =	swait.ge [sflag:s19], $0x2800  }
0x5d: {  	[sflag:s19] =	ssyncset.done $0x0  }
0x5e: {  	s7 =	simm.s32 $0xA0;
	[sflag:s19] =	ssyncadd.s32 $0xFFFFD800  }
0x5f: {  	[tilespmem:s22], [sflag:$0x1] =	stream.indirect.gather [hbm4b:s1+s21], $0x80, s7, s21, $0xb8;
	[tilespmem:$0x1F380] =	vst v63  }
0x60: {  	s18 =	simm.s32 $0xC8  }
0x61: {  	[tilespmem:s23], [sflag:$0x2] =	stream.indirect.gather [hbm4b:s1+s21], $0x80, s18, s21, $0xb8;
	[tilespmem:$0x1F380] =	vst v63  }
0x62: {  	_ =	swait.ge [sflag:s30], $0x1400  }
0x63: {  	[sflag:s30] =	ssyncset.done $0x0  }
0x64: {  	[sflag:s30] =	ssyncadd.s32 $0xFFFFEC00  }
0x65: {  	_ =	swait.ge [sflag:s31], $0x1400  }
0x66: {  	[sflag:s31] =	ssyncset.done $0x0  }
0x67: {  	s20 =	simm.s32 $0x2800;
	[sflag:s31] =	ssyncadd.s32 $0xFFFFEC00  }
0x68: {  	[spmem:s3] =	stream.indirect.scatter.add.f32 [tilespmem:s24], [sflag:$0x5], $0x80, s20, s29, $0xb8;
	[tilespmem:$0x1F380] =	vst v63  }
0x69: {  	s17 =	simm.s32 $0x2880;
	_ =	swait.ge [sflag:s19], $0x2800  }
0x6a: {  	s18 =	simm.s32 $0xA0;
	s20 =	simm.s32 $0x500;
	[sflag:s19] =	ssyncset.done $0x0  }
.LBB2_4:
0x6b: {  	s2 =	sadd.s32 $0x50, s18  }
0x6c: {  	[sflag:s19] =	ssyncadd.s32 $0xFFFFD800;
	s6 =	smov.u32 s20;
	s7 =	sadd.s32 $0x280, s20  }
0x6d: {  	[tilespmem:s24], [sflag:$0x3] =	stream.indirect.gather [hbm4b:s1+s21], $0x80, s2, s21, $0xb8;
	[tilespmem:$0x1F380] =	vst v63  }
0x6e: {  	p0 =	sne.s32 s20, $0x9880;
	s2 =	sadd.s32 $0x78, s18  }
0x6f: {  	[tilespmem:s25], [sflag:$0x4] =	stream.indirect.gather [hbm4b:s1+s21], $0x80, s2, s21, $0xb8;
	[tilespmem:$0x1F380] =	vst v63  }
0x70: {  	_ =	swait.ge [sflag:s26], $0x1400  }
0x71: {  	[sflag:s26] =	ssyncset.done $0x0  }
0x72: {  	[sflag:s26] =	ssyncadd.s32 $0xFFFFEC00  }
0x73: {  	_ =	swait.ge [sflag:s28], $0x1400  }
0x74: {  	[sflag:s28] =	ssyncset.done $0x0  }
0x75: {  	[sflag:s28] =	ssyncadd.s32 $0xFFFFEC00  }
0x76: {  	[spmem:s3] =	stream.indirect.scatter.add.f32 [tilespmem:s22], [sflag:$0x5], $0x80, s17, s29, $0xb8;
	[tilespmem:$0x1F380] =	vst v63  }
0x77: {  	_ =	swait.ge [sflag:s19], $0x2800  }
0x78: {  	[sflag:s19] =	ssyncset.done $0x0  }
0x79: {  	s2 =	sadd.s32 $0xA0, s18;
	[sflag:s19] =	ssyncadd.s32 $0xFFFFD800  }
0x7a: {  	[tilespmem:s22], [sflag:$0x1] =	stream.indirect.gather [hbm4b:s1+s21], $0x80, s2, s21, $0xb8;
	[tilespmem:$0x1F380] =	vst v63  }
0x7b: {  	s2 =	sadd.s32 $0xC8, s18  }
0x7c: {  	[tilespmem:s23], [sflag:$0x2] =	stream.indirect.gather [hbm4b:s1+s21], $0x80, s2, s21, $0xb8;
	[tilespmem:$0x1F380] =	vst v63  }
0x7d: {  	_ =	swait.ge [sflag:s30], $0x1400  }
0x7e: {  	[sflag:s30] =	ssyncset.done $0x0  }
0x7f: {  	[sflag:s30] =	ssyncadd.s32 $0xFFFFEC00  }
0x80: {  	_ =	swait.ge [sflag:s31], $0x1400  }
.Ltmp1:
0x81: {  	[sflag:s31] =	ssyncset.done $0x0;
	(pc) =	sbr.rel @p0 .LBB2_4-.Ltmp1, $4  }
0x82: {  	s2 =	sadd.s32 $0x80, s17;
	[sflag:s31] =	ssyncadd.s32 $0xFFFFEC00  }
0x83: {  	[spmem:s3] =	stream.indirect.scatter.add.f32 [tilespmem:s24], [sflag:$0x5], $0x80, s2, s29, $0xb8;
	[tilespmem:$0x1F380] =	vst v63  }
0x84: {  	s20 =	smov.u32 s7;
	_ =	swait.ge [sflag:s19], $0x2800  }
0x85: {  	s18 =	sshra.s32 s6, $0x2;
	s17 =	sadd.s32 $0x100, s17;
	[sflag:s19] =	ssyncset.done $0x0  }
0x86: {  	s2 =	sadd.s32 $0x50, s18;
	[sflag:s19] =	ssyncadd.s32 $0xFFFFD800  }
0x87: {  	[tilespmem:s24], [sflag:$0x3] =	stream.indirect.gather [hbm4b:s1+s21], $0x80, s2, s21, $0xb8;
	[tilespmem:$0x1F380] =	vst v63  }
0x88: {  	s20 =	sadd.s32 $0x78, s18  }
0x89: {  	[tilespmem:s25], [sflag:$0x4] =	stream.indirect.gather [hbm4b:s1+s21], $0x80, s20, s21, $0xb8;
	[tilespmem:$0x1F380] =	vst v63  }
0x8a: {  	_ =	swait.ge [sflag:s26], $0x1400  }
0x8b: {  	[sflag:s26] =	ssyncset.done $0x0  }
0x8c: {  	[sflag:s26] =	ssyncadd.s32 $0xFFFFEC00  }
0x8d: {  	_ =	swait.ge [sflag:s28], $0x1400  }
0x8e: {  	[sflag:s28] =	ssyncset.done $0x0  }
0x8f: {  	[sflag:s28] =	ssyncadd.s32 $0xFFFFEC00  }
0x90: {  	[spmem:s3] =	stream.indirect.scatter.add.f32 [tilespmem:s22], [sflag:$0x5], $0x80, s17, s29, $0xb8;
	[tilespmem:$0x1F380] =	vst v63  }
0x91: {  	_ =	swait.ge [sflag:s19], $0x2800  }
0x92: {  	[sflag:s19] =	ssyncset.done $0x0  }
0x93: {  	s6 =	sadd.s32 $0xA0, s18;
	[sflag:s19] =	ssyncadd.s32 $0xFFFFD800  }
0x94: {  	[tilespmem:s22], [sflag:$0x1] =	stream.indirect.gather [hbm4b:s1+s21], $0x80, s6, s21, $0xb8;
	[tilespmem:$0x1F380] =	vst v63  }
0x95: {  	s7 =	sadd.s32 $0xC8, s18  }
0x96: {  	[tilespmem:s23], [sflag:$0x2] =	stream.indirect.gather [hbm4b:s1+s21], $0x80, s7, s21, $0xb8;
	[tilespmem:$0x1F380] =	vst v63  }
0x97: {  	_ =	swait.ge [sflag:s30], $0x1400  }
0x98: {  	[sflag:s30] =	ssyncset.done $0x0  }
0x99: {  	[sflag:s30] =	ssyncadd.s32 $0xFFFFEC00  }
0x9a: {  	_ =	swait.ge [sflag:s31], $0x1400  }
0x9b: {  	[sflag:s31] =	ssyncset.done $0x0  }
0x9c: {  	s17 =	sadd.s32 $0x80, s17;
	[sflag:s31] =	ssyncadd.s32 $0xFFFFEC00  }
0x9d: {  	[spmem:s3] =	stream.indirect.scatter.add.f32 [tilespmem:s24], [sflag:$0x5], $0x80, s17, s29, $0xb8;
	[tilespmem:$0x1F380] =	vst v63  }
0x9e: {  	_ =	swait.ge [sflag:s19], $0x2800  }
0x9f: {  	[sflag:s19] =	ssyncset.done $0x0  }
0xa0: {  	[sflag:s19] =	ssyncadd.s32 $0xFFFFD800  }
0xa1: {  	_ =	swait.ge [sflag:s26], $0x1400  }
0xa2: {  	[sflag:s26] =	ssyncset.done $0x0  }
0xa3: {  	[sflag:s26] =	ssyncadd.s32 $0xFFFFEC00  }
0xa4: {  	_ =	swait.ge [sflag:s28], $0x1400  }
0xa5: {  	[sflag:s28] =	ssyncset.done $0x0  }
0xa6: {  	s18 =	simm.s32 $0x6580;
	[sflag:s28] =	ssyncadd.s32 $0xFFFFEC00  }
0xa7: {  	[spmem:s3] =	stream.indirect.scatter.add.f32 [tilespmem:s22], [sflag:$0x5], $0x80, s18, s29, $0xb8;
	[tilespmem:$0x1F380] =	vst v63  }
0xa8: {  	s20 =	stileid.u32;
	_ =	swait.ge [sflag:s19], $0x2800  }
0xa9: {  	s0 =	sadd.s32 $0x1, s0;
	s2 =	sshll.u32 s20, $0x6;
	[sflag:s19] =	ssyncset.done $0x0  }
0xaa: {  	p0 =	sne.s32 s0, s16;
	s2 =	sor.u32 $0x1C05, s2;
	[sflag:s19] =	ssyncadd.s32 $0xFFFFD800  }
.Ltmp2:
0xab: {  	s6 =	sshrl.u32 s5, $0x3;
	[bflag:$0x0] =	sbarrier.arrive $0xFFFF;
	(pc) =	sbr.rel @p0 .LBB2_1-.Ltmp2, $4  }
0xac: {  	[hbm:s15], [sflag:s2] =	dma.local [spmem:s6], $0x2780  }
0xad: {  	_ =	swait.ge [sflag:s19], $0x2780  }
0xae: {  	[sflag:s19] =	ssyncset.done $0x0  }
0xaf: {  	[sflag:s19] =	ssyncadd.s32 $0xFFFFD880  }
0xb0: {  	_ =	sfence.sel $0x180000  }
0xb1: {  	[bflag:$0x0] =	sbarrier.arrive $0xFFFF  }
0xb2: {  	_ =	strace $0x9000004D  }
0xb3: {  	s0 =	stileid.u32;
	[bflag:$0x2] =	sbarrier.arrive $0xFFFF  }
0xb4: {  	p0 =	sne.s32 s0, $0x0;
	s0 =	rddreg [dreg:$0x3]  }
0xb5: {  	s0 =	sadd.s32 @!p0 $0x100000, s0  }
0xb6: {  	[sflag:s0] =	ssyncadd.tile.s32 @!p0 $0x1;
	_ =	shalt  }
.Lfunc_end2:
_tile_overlayer_lowered:
.L_overlay_start_2:
0xb7: {  	(tag) =	ssettag $0x2  }
0xb8: {  	s0 =	rddreg [dreg:$0x0];
	s2 =	stileid.u32  }
0xb9: {  	s1 =	rddreg [dreg:$0x1];
	p0 =	sne.s32 s2, $0x0  }
0xba: {  	s3 =	rddreg [dreg:$0x2];
	[bflag:$0x3] =	sbarrier.arrive $0xFFFF;
	s2 =	simm.s32 @!p0 $0x1C05  }
0xbb: {  	[timem:s3], [sflag:s2] =	dma.local @!p0 [hbm:s0], s1  }
0xbc: {  	s0 =	simm.s32 @!p0 $0x5  }
0xbd: {  	_ =	swait.ge @!p0 [sflag:s0], s1  }
0xbe: {  	s1 =	ssub.s32 @!p0 $0x0, s1;
	[sflag:s0] =	ssyncset.done @!p0 $0x0  }
0xbf: {  	[sflag:s0] =	ssyncadd.s32 @!p0 s1  }
0xc0: {  	[bflag:$0x3] =	sbarrier.arrive $0xFFFF  }
0xc1: {  	_ =	shalt  }

// kernel: kernel.8.cloned.1.call-start
scs
__scs_entry_jumppad:
0x0: {  	(pc) =	sbr.rel $0x88, $3  }
0x1: {  	(tag) =	ssettag $0x0;
	lr =	simm.s32 $0x1  }
0x2: {  	[smem:$0x3F9B] =	sst lr;
	_ =	strace $0xD0000000  }
0x3: {  	_ = 	snop  }
0x4: {  	_ = 	snop  }
0x5: {  	_ = 	snop  }
0x6: {  	_ = 	snop  }
0x7: {  	_ = 	snop  }
__scs_overlays_trampoline_lowered:
0x8: {  	[smem:$0x3FAA] =	sst s0  }
0x9: {  	[smem:$0x3FAB] =	sst s1  }
0xa: {  	[smem:$0x3FAC] =	sst s2  }
0xb: {  	[smem:$0x3FAD] =	sst s3  }
0xc: {  	[smem:$0x3FAE] =	sst s4  }
0xd: {  	[smem:$0x3FAF] =	sst s5  }
0xe: {  	[smem:$0x3FB0] =	sst s6  }
0xf: {  	[smem:$0x3FB1] =	sst s7  }
0x10: {  	[smem:$0x3FB2] =	sst s8  }
0x11: {  	[smem:$0x3FB3] =	sst s9;
	s0 =	simm.s32 @!p0 $0x0  }
0x12: {  	s1 =	sld [smem:$0x3F99];
	s0 =	simm.s32 @p0 $0x1  }
0x13: {  	[smem:$0x3FB4] =	sst s0;
	s0 =	simm.s32 @!p1 $0x0  }
0x14: {  	s2 =	sld [smem:$0x3F98];
	s0 =	simm.s32 @p1 $0x1  }
0x15: {  	[smem:$0x3FB5] =	sst s0;
	s0 =	simm.s32 @!p2 $0x0  }
0x16: {  	s3 =	sld [smem:$0x3FDB];
	s0 =	simm.s32 @p2 $0x1  }
0x17: {  	s4 =	simm.s32 $0x1BF5;
	[smem:$0x3FB7] =	sst s0  }
0x18: {  	s0 =	sld [smem:$0x3F9A];
	_ =	swait.ge [sflag:s4], $0x0  }
0x19: {  	s7 =	sld [smem:$0x3F9B]  }
0x1a: {  	s8 =	sadd.s32 $0xFFFFE003, lr  }
0x1b: {  	s9 =	sadd.s32 $0xFFFFFEF7, lr;
	s5 =	simm.s32 $0xFFFFFFFF;
	p2 =	slt.u32 s8, $0xFFFFF086  }
0x1c: {  	p1 =	slt.u32 s9, $0xF7A;
	s5 =	simm.s32 @!p2 $0x0  }
0x1d: {  	s5 =	simm.s32 @p1 $0x1;
	p0 =	seq.s32 s7, s2  }
0x1e: {  	s7 =	smul.u32 @!p0 $0xF7A, s2;
	p2 =	seq.s32 @!p0 s5, $0x0  }
0x1f: {  	s9 =	smul.u32 $0xF7A, s1;
	s8 =	simm.s32 @!p0 $0x1BF5;
	p2 =	por !p2, p0  }
0x20: {  	[sflag:s8] =	ssyncset.s32 @!p0 $0xFFFFF086;
	s6 =	sadd.s32 @!p0 s3, s7;
	s7 =	simm.s32 @!p0 $0x108  }
0x21: {  	s3 =	sadd.s32 s3, s9;
	s6 =	sadd.s32 @!p0 $0x88, s6;
	s7 =	simm.s32 @p2 $0x1082  }
0x22: {  	[simem:s7], [sflag:s8] =	dma.local @!p0 [hbm:s6], $0xF7A  }
0x23: {  	s9 =	sor.u32 $0xD0000000, s2;
	s6 =	simm.s32 $0x108;
	_ =	swait.ge @!p0 [sflag:s8], $0x0  }
0x24: {  	s3 =	sadd.s32 $0x88, s3;
	s6 =	simm.s32 @!p1 $0x1082;
	[sflag:s4] =	ssyncset.s32 $0xFFFFF086  }
0x25: {  	[simem:s6], [sflag:s4] =	dma.local [hbm:s3], $0xF7A  }
0x26: {  	[smem:$0x3F9B] =	sst s1;
	(tag) =	ssettag s2;
	_ =	strace s9  }
0x27: {  	s1 =	sld [smem:$0x3FAB]  }
0x28: {  	s2 =	sld [smem:$0x3FAC]  }
0x29: {  	s4 =	sld [smem:$0x3FAE]  }
0x2a: {  	p0 =	seq.s32 s5, $0x0;
	s5 =	sld [smem:$0x3FAF]  }
0x2b: {  	s6 =	sld [smem:$0x3FB0]  }
0x2c: {  	s7 =	sld [smem:$0x3FB1]  }
0x2d: {  	s3 =	simm.s32 $0x108;
	s8 =	sld [smem:$0x3FB2]  }
0x2e: {  	s3 =	simm.s32 @!p0 $0x1082;
	s9 =	sld [smem:$0x3FB3]  }
0x2f: {  	lr =	sadd.s32 s0, s3;
	s0 =	sld [smem:$0x3FAA]  }
0x30: {  	s3 =	sld [smem:$0x3FAD]  }
0x31: {  	[smem:$0x3FB6] =	sst s10  }
0x32: {  	s10 =	sld [smem:$0x3FB4];
	_ =	sdelay $0x3  }
0x33: {  	p0 =	seq.s32 s10, $0x1;
	s10 =	sld [smem:$0x3FB6];
	_ =	sdelay $0x3  }
0x34: {  	[smem:$0x3FB6] =	sst s10  }
0x35: {  	s10 =	sld [smem:$0x3FB5];
	_ =	sdelay $0x3  }
0x36: {  	p1 =	seq.s32 s10, $0x1;
	s10 =	sld [smem:$0x3FB6];
	_ =	sdelay $0x3  }
0x37: {  	[smem:$0x3FB6] =	sst s10  }
0x38: {  	s10 =	sld [smem:$0x3FB7]  }
0x39: {  	_ = 	snop;
	(pc) =	sbr.ind lr, $3  }
0x3a: {  	_ = 	snop  }
0x3b: {  	_ = 	snop  }
0x3c: {  	p2 =	seq.s32 s10, $0x1;
	s10 =	sld [smem:$0x3FB6]  }
0x3d: {  	_ =	shalt  }
0x3e: {  	_ =	shalt  }
0x3f: {  	_ =	shalt  }
0x40: {  	_ =	shalt  }
0x41: {  	_ =	shalt  }
0x42: {  	_ =	shalt  }
0x43: {  	_ =	shalt  }
0x44: {  	_ =	shalt  }
0x45: {  	_ =	shalt  }
0x46: {  	_ =	shalt  }
0x47: {  	_ =	shalt  }
0x48: {  	_ =	shalt  }
0x49: {  	_ =	shalt  }
0x4a: {  	_ =	shalt  }
0x4b: {  	_ =	shalt  }
0x4c: {  	_ =	shalt  }
0x4d: {  	_ =	shalt  }
0x4e: {  	_ =	shalt  }
0x4f: {  	_ =	shalt  }
0x50: {  	_ =	shalt  }
0x51: {  	_ =	shalt  }
0x52: {  	_ =	shalt  }
0x53: {  	_ =	shalt  }
0x54: {  	_ =	shalt  }
0x55: {  	_ =	shalt  }
0x56: {  	_ =	shalt  }
0x57: {  	_ =	shalt  }
0x58: {  	_ =	shalt  }
0x59: {  	_ =	shalt  }
0x5a: {  	_ =	shalt  }
0x5b: {  	_ =	shalt  }
0x5c: {  	_ =	shalt  }
0x5d: {  	_ =	shalt  }
0x5e: {  	_ =	shalt  }
0x5f: {  	_ =	shalt  }
0x60: {  	_ =	shalt  }
0x61: {  	_ =	shalt  }
0x62: {  	_ =	shalt  }
0x63: {  	_ =	shalt  }
0x64: {  	_ =	shalt  }
0x65: {  	_ =	shalt  }
0x66: {  	_ =	shalt  }
0x67: {  	_ =	shalt  }
0x68: {  	_ =	shalt  }
0x69: {  	_ =	shalt  }
0x6a: {  	_ =	shalt  }
0x6b: {  	_ =	shalt  }
0x6c: {  	_ =	shalt  }
0x6d: {  	_ =	shalt  }
0x6e: {  	_ =	shalt  }
0x6f: {  	_ =	shalt  }
0x70: {  	_ =	shalt  }
0x71: {  	_ =	shalt  }
0x72: {  	_ =	shalt  }
0x73: {  	_ =	shalt  }
0x74: {  	_ =	shalt  }
0x75: {  	_ =	shalt  }
0x76: {  	_ =	shalt  }
0x77: {  	_ =	shalt  }
0x78: {  	_ =	shalt  }
0x79: {  	_ =	shalt  }
0x7a: {  	_ =	shalt  }
0x7b: {  	_ =	shalt  }
0x7c: {  	_ =	shalt  }
0x7d: {  	_ =	shalt  }
0x7e: {  	_ =	shalt  }
0x7f: {  	_ =	shalt  }
0x80: {  	_ =	shalt  }
0x81: {  	_ =	shalt  }
0x82: {  	_ =	shalt  }
0x83: {  	_ =	shalt  }
0x84: {  	_ =	shalt  }
0x85: {  	_ =	shalt  }
0x86: {  	_ =	shalt  }
0x87: {  	_ =	shalt  }
.Lfunc_end0:
.L_simem_size_0:
called_computation_lowered:
.L_overlay_start_0:
0x88: {  	s2 =	sld [smem:$0x3FD9]  }
0x89: {  	s3 =	sld [smem:$0x3FFE];
	_ =	sdelay $0x1  }
0x8a: {  	s1 =	srdreg.scid  }
0x8b: {  	s0 =	sand.u32 $0x1, s1  }
0x8c: {  	s17 =	sshll.u32 s0, $0xA;
	s2 =	sadd.s32 s3, s2  }
0x8d: {  	s2 =	sadd.s32 s2, s17  }
0x8e: {  	[smem:$0x3FC2] =	sst s2  }
0x8f: {  	_ = 	snop  }
0x90: {  	s2 =	sld [smem:$0x3FD0];
	(tm) =	ssettm $0x1  }
0x91: {  	s18 =	sld [smem:$0x3FFB];
	_ =	sdelay $0x3  }
0x92: {  	_ =	strace s18  }
0x93: {  	s3 =	sld [smem:$0x3FFC];
	_ =	sdelay $0x3  }
0x94: {  	_ =	strace s3  }
0x95: {  	s3 =	sld [smem:$0x3FFD];
	_ =	sdelay $0x3  }
0x96: {  	_ =	strace s3  }
0x97: {  	_ =	strace $0x8FFFFFFF  }
0x98: {  	s19 =	sld [smem:$0x3FDB];
	_ =	sdelay $0x1  }
0x99: {  	s4 =	simm.s32 $_scs_section_size  }
0x9a: {  	s5 =	simm.s32 $_size__tile_overlayer_lowered;
	s6 =	simm.s32 $_tile_overlayer_lowered  }
0x9b: {  	s22 =	simm.s32 $0x1BFF;
	s21 =	sshll.u32 s6, $0x1;
	s3 =	sadd.s32 s4, s19  }
0x9c: {  	s7 =	simm.s32 $0x0;
	s20 =	sshll.u32 s5, $0x1;
	s5 =	sadd.s32 s21, s3  }
0x9d: {  	[timem:s7], [sflag:s22] =	dma.local [hbm:s5], s20  }
0x9e: {  	_ =	swait.ge [sflag:s22], s20  }
0x9f: {  	s4 =	ssub.s32 $0x0, s20;
	[sflag:s22] =	ssyncset.done $0x0  }
0xa0: {  	[sflag:s22] =	ssyncadd.s32 s4;
	_ =	sdelay $0x1  }
0xa1: {  	s23 =	simm.s32 $0x1B8B  }
0xa2: {  	_ =	swait.ge [sflag:s23], $0x1  }
0xa3: {  	[sflag:s23] =	ssyncset.done $0x0  }
0xa4: {  	s25 =	simm.s32 $0x1B8E;
	s24 =	sld [smem:$0x3FFE];
	[sflag:s23] =	ssyncadd.s32 $0xFFFFFFFF  }
0xa5: {  	s26 =	simm.s32 $execute0_lowered;
	[smem:$0x3FD2] =	sst s25  }
0xa6: {  	s5 =	sshll.u32 s26, $0x1;
	_ =	strace $0x80000046;
	[dreg:$0x1] =	wrdreg $0xFFFFFFFF  }
0xa7: {  	s28 =	simm.s32 $_size_execute0_lowered;
	s3 =	sadd.s32 s3, s5;
	[dreg:$0x0] =	wrdreg $0x0  }
0xa8: {  	s5 =	sshll.u32 s28, $0x1;
	[dreg:$0x2] =	wrdreg s3  }
0xa9: {  	[dreg:$0x3] =	wrdreg s5  }
0xaa: {  	[dreg:$0x4] =	wrdreg $0xC0  }
0xab: {  	_ =	task [dreg:s7], $0x5FFFF  }
0xac: {  	[dreg:$0x1] =	wrdreg $0xFFFFFFFF  }
0xad: {  	[dreg:$0x0] =	wrdreg $0x60  }
0xae: {  	[dreg:$0x2] =	wrdreg s24  }
0xaf: {  	[dreg:$0x3] =	wrdreg s2  }
0xb0: {  	[dreg:$0x4] =	wrdreg $0x43000  }
0xb1: {  	[dreg:$0x5] =	wrdreg $0x9  }
0xb2: {  	_ =	task.clear_ibuf [dreg:s7], $0x6FFFF;
	_ =	strace $0x90000046  }
0xb3: {  	s29 =	simm.s32 $0x9;
	_ =	strace $0x80000048  }
0xb4: {  	_ =	swait.ge [sflag:s29], $0x1  }
0xb5: {  	[sflag:s29] =	ssyncadd.s32 $0xFFFFFFFF  }
0xb6: {  	_ =	strace $0x90000048  }
0xb7: {  	_ =	sfence  }
0xb8: {  	s30 =	sld [smem:$0x0];
	_ =	sdelay $0x2  }
0xb9: {  	s31 =	sshll.u32 s1, $0xD;
	s1 =	sshrl.u32 s1, $0x2  }
0xba: {  	s3 =	sand.u32 $0x4000, s31;
	s1 =	sadd.s32 s1, s30  }
0xbb: {  	s0 =	sor.u32 s3, s0;
	s1 =	sshll.u32 s1, $0x11  }
0xbc: {  	s0 =	sor.u32 s1, s0  }
0xbd: {  	s0 =	sadd.s32 $0x8F2B, s0  }
0xbe: {  	[sflag:s0] =	ssyncadd.remote.s32 $0x1  }
0xbf: {  	_ =	sfence.sel $0xFFFF  }
0xc0: {  	[dreg:$0x0] =	wrdreg $0xFFFFFFFF;
	(pc) =	sbr.abs _section_cstart, $3  }
0xc1: {  	[dreg:$0x1] =	wrdreg $0xFFFFFFFF  }
0xc2: {  	_ =	task.clear_ibuf [dreg:s7], $0x2FFFF;
	_ =	strace $0x9FFFFFFF  }
0xc3: {  	(tm) =	ssettm $0x7FFFFFFF  }
tec
execute0_lowered:
.L_overlay_start_1:
0x0: {  	(tag) =	ssettag $0x1  }
0x1: {  	s4 =	rddreg [dreg:$0x0]  }
0x2: {  	s6 =	rddreg [dreg:$0x1]  }
0x3: {  	s1 =	rddreg [dreg:$0x2]  }
0x4: {  	s0 =	rddreg [dreg:$0x3]  }
0x5: {  	s2 =	simm.s32 $0x0;
	s3 =	srdreg.scid;
	s11 =	simm.s32 $0x4000  }
0x6: {  	s14 =	simm.s32 $0x20;
	s15 =	simm.s32 $0x10;
	s16 =	simm.s32 $0x0  }
0x7: {  	[smem:$0x7FF] =	sst s2;
	s5 =	sand.u32 $0x1, s3;
	s3 =	stileid.u32  }
0x8: {  	_ =	strace $0x80000047;
	s7 =	sshll.u32 s5, $0xB;
	s9 =	smul.u32 $0xA00, s3  }
0x9: {  	s8 =	ssub.s32 $0x2, s5;
	s10 =	smul.u32 $0x500, s3;
	s28 =	sshll.u32 s3, $0xC  }
0xa: {  	s5 =	sshll.u32 s5, $0x7;
	s12 =	sshll.u32 s3, $0x6;
	s26 =	sshrl.u32 s8, $0x1  }
0xb: {  	s4 =	sadd.s32 s7, s4;
	s12 =	sor.u32 $0x1C01, s12;
	s7 =	ssub.s32 s8, s26  }
0xc: {  	s4 =	sadd.s32 s28, s4;
	s29 =	sshrl.u32 s9, $0x2;
	s30 =	sor.u32 s5, s10  }
0xd: {  	s8 =	simm.s32 $0x1;
	s9 =	simm.s32 $0x4080;
	s10 =	simm.s32 $0x50  }
0xe: {  	s4 =	sadd.s32 $0x1E00, s4;
	s5 =	sadd.s32 s29, s1;
	s31 =	sshrl.u32 s30, $0x3  }
0xf: {  	v0 =	vimm.f32 $1.000000000e+00;
	v1 =	vimm.f32 $0.0e+00;
	s7 =	smax.u32 s7, $0x1;
	s6 =	sadd.s32 s6, s31;
	s13 =	sshrl.u32 s5, $0x3  }
.LBB2_1:
0x10: {  	[tilespmem:s2], [sflag:$0x1] =	stream.linear.gather [hbm4b:s4+s2], $0x3E80, $0x38;
	[tilespmem:$0x4580] =	vst v63  }
0x11: {  	_ =	swait.ge [sflag:s8], $0x3E80  }
0x12: {  	[sflag:s8] =	ssyncset.done $0x0  }
0x13: {  	[sflag:s8] =	ssyncadd.s32 $0xFFFFC180  }
0x14: {  	[tilespmem:$0x4000] =	vst v0  }
0x15: {  	[tilespmem:$0x4010] =	vst v0  }
0x16: {  	[tilespmem:$0x4020] =	vst v0  }
0x17: {  	[tilespmem:$0x4030] =	vst v0  }
0x18: {  	[tilespmem:$0x4040] =	vst v0  }
0x19: {  	[tilespmem:$0x4080] =	vst v1  }
0x1a: {  	[tilespmem:$0x4090] =	vst v1  }
0x1b: {  	[tilespmem:$0x40A0] =	vst v1  }
0x1c: {  	[tilespmem:$0x40B0] =	vst v1  }
0x1d: {  	[tilespmem:$0x40C0] =	vst v1  }
0x1e: {  	[tilespmem:$0x40D0] =	vst v1  }
0x1f: {  	[tilespmem:$0x40E0] =	vst v1  }
0x20: {  	[tilespmem:$0x40F0] =	vst v1  }
0x21: {  	[tilespmem:$0x4100] =	vst v1  }
0x22: {  	[tilespmem:$0x4110] =	vst v1  }
0x23: {  	[tilespmem:$0x4120] =	vst v1  }
0x24: {  	[tilespmem:$0x4130] =	vst v1  }
0x25: {  	[tilespmem:$0x4140] =	vst v1  }
0x26: {  	[tilespmem:$0x4150] =	vst v1  }
0x27: {  	[tilespmem:$0x4160] =	vst v1  }
0x28: {  	[tilespmem:$0x4170] =	vst v1  }
0x29: {  	[tilespmem:$0x4180] =	vst v1  }
0x2a: {  	[tilespmem:$0x4190] =	vst v1  }
0x2b: {  	[tilespmem:$0x41A0] =	vst v1  }
0x2c: {  	[tilespmem:$0x41B0] =	vst v1  }
0x2d: {  	[tilespmem:$0x41C0] =	vst v1  }
0x2e: {  	[tilespmem:$0x41D0] =	vst v1  }
0x2f: {  	[tilespmem:$0x41E0] =	vst v1  }
0x30: {  	[tilespmem:$0x41F0] =	vst v1  }
0x31: {  	[tilespmem:$0x4200] =	vst v1  }
0x32: {  	[tilespmem:$0x4210] =	vst v1  }
0x33: {  	[tilespmem:$0x4220] =	vst v1  }
0x34: {  	[tilespmem:$0x4230] =	vst v1  }
0x35: {  	[tilespmem:$0x4240] =	vst v1  }
0x36: {  	[tilespmem:$0x4250] =	vst v1  }
0x37: {  	[tilespmem:$0x4260] =	vst v1  }
0x38: {  	[tilespmem:$0x4270] =	vst v1  }
0x39: {  	[tilespmem:$0x4280] =	vst v1  }
0x3a: {  	[tilespmem:$0x4290] =	vst v1  }
0x3b: {  	[tilespmem:$0x42A0] =	vst v1  }
0x3c: {  	[tilespmem:$0x42B0] =	vst v1  }
0x3d: {  	[tilespmem:$0x42C0] =	vst v1  }
0x3e: {  	[tilespmem:$0x42D0] =	vst v1  }
0x3f: {  	[tilespmem:$0x42E0] =	vst v1  }
0x40: {  	[tilespmem:$0x42F0] =	vst v1  }
0x41: {  	[spmem:s5] =	stream.linear.scatter [tilespmem:s9], [sflag:$0x1], $0x280, $0x38;
	[tilespmem:$0x4580] =	vst v63  }
0x42: {  	_ =	swait.ge [sflag:s8], $0x280  }
0x43: {  	[sflag:s8] =	ssyncset.done $0x0  }
0x44: {  	[sflag:s8] =	ssyncadd.s32 $0xFFFFFD80  }
0x45: {  	s17 =	simm.s32 $0x0;
	[bflag:$0x0] =	sbarrier.arrive $0xFFFF  }
0x46: {  	[spmem:s1] =	stream.indirect.scatter.add.f32 [tilespmem:s11], [sflag:$0x1], $0x1, s17, s10, $0xb8;
	[tilespmem:$0x4580] =	vst v63  }
0x47: {  	_ =	swait.ge [sflag:s8], $0x50  }
0x48: {  	s17 =	simm.s32 $0x200;
	[sflag:s8] =	ssyncset.done $0x0  }
.LBB2_2:
0x49: {  	s18 =	sshra.s32 s17, $0x2;
	[sflag:s8] =	ssyncadd.s32 $0xFFFFFFB0;
	p0 =	sne.s32 s17, $0xF800  }
0x4a: {  	[spmem:s1] =	stream.indirect.scatter.add.f32 [tilespmem:s11], [sflag:$0x1], $0x1, s18, s10, $0xb8;
	[tilespmem:$0x4580] =	vst v63  }
.Ltmp0:
0x4b: {  	_ = 	snop;
	(pc) =	sbr.rel @p0 .LBB2_2-.Ltmp0, $4  }
0x4c: {  	_ = 	snop  }
0x4d: {  	s17 =	sadd.s32 $0x200, s17  }
0x4e: {  	_ =	swait.ge [sflag:s8], $0x50  }
0x4f: {  	[sflag:s8] =	ssyncset.done $0x0  }
0x50: {  	s16 =	sadd.s32 $0x1, s16  }
0x51: {  	[sflag:s8] =	ssyncadd.s32 $0xFFFFFFB0;
	p0 =	sne.s32 s16, s7  }
.Ltmp1:
0x52: {  	[bflag:$0x0] =	sbarrier.arrive $0xFFFF;
	(pc) =	sbr.rel @p0 .LBB2_1-.Ltmp1, $4  }
0x53: {  	[hbm:s6@s14], [sflag:s12] =	dma.strided [spmem:s13@s15], $0x50, s8, $0x10   }
0x54: {  	_ =	swait.ge [sflag:s8], $0x50  }
0x55: {  	[sflag:s8] =	ssyncset.done $0x0  }
0x56: {  	[sflag:s8] =	ssyncadd.s32 $0xFFFFFFB0  }
0x57: {  	_ =	sfence.sel $0x180000  }
0x58: {  	[bflag:$0x0] =	sbarrier.arrive $0xFFFF  }
0x59: {  	p0 =	sne.s32 s3, $0x0;
	_ =	strace $0x90000047  }
0x5a: {  	s0 =	sadd.s32 @!p0 $0x100000, s0;
	[bflag:$0x2] =	sbarrier.arrive $0xFFFF  }
0x5b: {  	[sflag:s0] =	ssyncadd.tile.s32 @!p0 $0x1;
	_ =	shalt  }
.Lfunc_end2:
_tile_overlayer_lowered:
.L_overlay_start_2:
0x5c: {  	(tag) =	ssettag $0x2  }
0x5d: {  	s0 =	rddreg [dreg:$0x0];
	s2 =	stileid.u32  }
0x5e: {  	s1 =	rddreg [dreg:$0x1];
	p0 =	sne.s32 s2, $0x0  }
0x5f: {  	s3 =	rddreg [dreg:$0x2];
	[bflag:$0x3] =	sbarrier.arrive $0xFFFF;
	s2 =	simm.s32 @!p0 $0x1C01  }
0x60: {  	[timem:s3], [sflag:s2] =	dma.local @!p0 [hbm:s0], s1  }
0x61: {  	s0 =	simm.s32 @!p0 $0x1  }
0x62: {  	_ =	swait.ge @!p0 [sflag:s0], s1  }
0x63: {  	s1 =	ssub.s32 @!p0 $0x0, s1;
	[sflag:s0] =	ssyncset.done @!p0 $0x0  }
0x64: {  	[sflag:s0] =	ssyncadd.s32 @!p0 s1  }
0x65: {  	[bflag:$0x3] =	sbarrier.arrive $0xFFFF  }
0x66: {  	_ =	shalt  }

</sc_bundles>
